<compile_context>
chip_gen: v7x
topology: tpu7x:2x2x1
jax: 0.10.2.dev20260603
libtpu: 0.0.44.dev20260713+nightly
codegen_flags: <defaults>
</compile_context>

<pallas_src>
import jax
import jax.numpy as jnp
from jax import lax
from jax.experimental import pallas as pl
from jax.experimental.pallas import tpu as pltpu
from jax.experimental.pallas import tpu_sc as plsc

N = 10000
D = 128
DH = D // 2
E = 320000
NC = 2
NS = 16
ET = E // NS
KD = 80
CD = ET // KD
NB = 5
EHT = E // (NC * NS)
RT = N // NS
ZR = 125
HR = 640
NH = N // 16
RB = 2000


def _vector_mesh():
    return plsc.VectorSubcoreMesh(core_axis_name="c", subcore_axis_name="s",
                                  num_cores=NC, num_subcores=NS)


_SC_PARAMS = pltpu.CompilerParams(needs_layout_passes=False,
                                  use_tc_tiling_on_sc=False)


def _hist_call(eidx):

    @pl.kernel(
        out_type=jax.ShapeDtypeStruct((NH, 16), jnp.float32),
        mesh=_vector_mesh(),
        compiler_params=_SC_PARAMS,
        scratch_types=[
            pltpu.VMEM((ET,), jnp.int32),
            pltpu.VMEM((HR, 16), jnp.float32),
            pltpu.VMEM((1, HR), jnp.int32),
            pltpu.VMEM_SHARED((HR, 16), jnp.float32),
        ],
    )
    def hist_kernel(eidx_hbm, out_hbm, idx_v, hist_v, iota_v, acc_sh):
        c = lax.axis_index("c")
        s = lax.axis_index("s")
        pltpu.sync_copy(eidx_hbm.at[1, pl.ds(s * ET, ET)], idx_v)

        z16 = jnp.zeros((16,), jnp.float32)

        @pl.loop(0, HR)
        def _(i):
            hist_v[i, :] = z16

        @pl.loop(0, HR, step=16)
        def _(i):
            iota_v[0, pl.ds(i, 16)] = lax.iota(jnp.int32, 16) + i

        @pl.when(s == 0)
        def _():
            pltpu.sync_copy(hist_v, acc_sh)
        plsc.subcore_barrier()

        one16 = jnp.ones((16,), jnp.float32)

        @pl.when(c == 0)
        def _():
            @pl.loop(0, ET // 16)
            def _(i):
                idx = idx_v[pl.ds(i * 16, 16)]
                plsc.addupdate_scatter(
                    hist_v, [lax.shift_right_logical(idx, 4),
                             lax.bitwise_and(idx, 15)], one16)

            pltpu.sync_copy(hist_v, acc_sh.at[iota_v.at[0]], add=True)
        plsc.subcore_barrier()

        @pl.when((s == 0) & (c == 0))
        def _():
            pltpu.sync_copy(acc_sh.at[pl.ds(0, NH)], out_hbm)

    return hist_kernel(eidx)


def _agg_call(ysp, eidx):

    @pl.kernel(
        out_type=jax.ShapeDtypeStruct((NC, N, DH), jnp.float32),
        mesh=_vector_mesh(),
        compiler_params=_SC_PARAMS,
        scratch_types=[
            pltpu.VMEM((ET,), jnp.int32),
            pltpu.VMEM((ET,), jnp.int32),
            pltpu.VMEM((NB * KD, DH), jnp.float32),
            pltpu.VMEM((ZR, DH), jnp.float32),
            pltpu.VMEM_SHARED((N, DH), jnp.float32),
            [pltpu.SemaphoreType.DMA] * NB,
            [pltpu.SemaphoreType.DMA] * NB,
            pltpu.SemaphoreType.DMA,
        ],
    )
    def agg_kernel(ys_hbm, eidx_hbm, out_hbm, srcv, dstv, rowbuf,
                   zbuf, acc_sh, gsem, ssem, msem):
        c = lax.axis_index("c")
        s = lax.axis_index("s")
        pltpu.sync_copy(eidx_hbm.at[0, pl.ds(s * ET, ET)], srcv)
        pltpu.sync_copy(eidx_hbm.at[1, pl.ds(s * ET, ET)], dstv)

        z16 = jnp.zeros((16,), jnp.float32)

        @pl.loop(0, ZR)
        def _(i):
            @pl.loop(0, DH, step=16)
            def _(j):
                zbuf[i, pl.ds(j, 16)] = z16

        zd = [pltpu.async_copy(zbuf, acc_sh.at[pl.ds(s * RT + ZR * k, ZR)],
                               msem) for k in range(RT // ZR)]
        for d in zd:
            d.wait()
        plsc.subcore_barrier()

        def _scatter_desc(b, cj):
            return pltpu.make_async_copy(
                rowbuf.at[pl.ds(b * KD, KD)],
                acc_sh.at[dstv.at[pl.ds(cj * KD, KD)]], ssem[b])

        @pl.loop(0, CD, step=NB)
        def _(j):
            gd = []
            for b in range(NB):
                @pl.when(j >= NB)
                def _():
                    _scatter_desc(b, j + b).wait()
                gd.append(pltpu.async_copy(
                    ys_hbm.at[c].at[srcv.at[pl.ds((j + b) * KD, KD)]],
                    rowbuf.at[pl.ds(b * KD, KD)], gsem[b]))
            for b in range(NB):
                gd[b].wait()
                pltpu.async_copy(
                    rowbuf.at[pl.ds(b * KD, KD)],
                    acc_sh.at[dstv.at[pl.ds((j + b) * KD, KD)]], ssem[b],
                    add=True)
        for b in range(NB):
            _scatter_desc(b, CD - NB + b).wait()

        plsc.subcore_barrier()
        pltpu.async_copy(acc_sh.at[pl.ds(s * RT, RT)],
                         out_hbm.at[c, pl.ds(s * RT, RT)], msem).wait()

    return agg_kernel(ysp, eidx)


def _dinv_col(hist_ref):
    deg = hist_ref[...] + 1.0
    return lax.rsqrt(deg)


def _ln_mm_body(x_ref, w_ref, g_ref, bt_ref, hist_ref, ys_ref):
    xb = x_ref[...]
    mean = jnp.mean(xb, axis=1, keepdims=True)
    xc = xb - mean
    var = jnp.mean(xc * xc, axis=1, keepdims=True)
    xn = xc * lax.rsqrt(var + 1e-5) * g_ref[...] + bt_ref[...]
    xw = lax.dot_general(xn, w_ref[...], (((1,), (0,)), ((), ())),
                         precision=lax.Precision.HIGHEST,
                         preferred_element_type=jnp.float32)
    ys = xw * _dinv_col(hist_ref)
    ys_ref[0] = ys[:, :DH]
    ys_ref[1] = ys[:, DH:]


def _ln_mm_call(x, W, gamma, beta, hist2):
    return pl.pallas_call(
        _ln_mm_body,
        grid=(N // RB,),
        in_specs=[
            pl.BlockSpec((RB, D), lambda i: (i, 0)),
            pl.BlockSpec((D, D), lambda i: (0, 0)),
            pl.BlockSpec((1, D), lambda i: (0, 0)),
            pl.BlockSpec((1, D), lambda i: (0, 0)),
            pl.BlockSpec((RB, 1), lambda i: (i, 0)),
        ],
        out_specs=pl.BlockSpec((NC, RB, DH), lambda i: (0, i, 0)),
        out_shape=jax.ShapeDtypeStruct((NC, N, DH), jnp.float32),
    )(x, W, gamma, beta, hist2)


def _fin_body(agg_ref, ys_ref, hist_ref, x_ref, b_ref, o_ref):
    t = jnp.concatenate([agg_ref[0] + ys_ref[0], agg_ref[1] + ys_ref[1]],
                        axis=1) * _dinv_col(hist_ref)
    o_ref[...] = jnp.maximum(t + b_ref[...] + x_ref[...], 0.0)


def _fin_call(agg, ysp, hist2, x, b2):
    return pl.pallas_call(
        _fin_body,
        grid=(N // RB,),
        in_specs=[
            pl.BlockSpec((NC, RB, DH), lambda i: (0, i, 0)),
            pl.BlockSpec((NC, RB, DH), lambda i: (0, i, 0)),
            pl.BlockSpec((RB, 1), lambda i: (i, 0)),
            pl.BlockSpec((RB, D), lambda i: (i, 0)),
            pl.BlockSpec((1, D), lambda i: (0, 0)),
        ],
        out_specs=pl.BlockSpec((RB, D), lambda i: (i, 0)),
        out_shape=jax.ShapeDtypeStruct((N, D), jnp.float32),
    )(agg, ysp, hist2, x, b2)


def kernel(x, edge_index, edge_attr, h, batch, W, b, ln_gamma, ln_beta):
    eidx = edge_index.astype(jnp.int32)

    hist = _hist_call(eidx)
    hist2 = hist.reshape(N, 1)
    ysp = _ln_mm_call(x, W, ln_gamma.reshape(1, D), ln_beta.reshape(1, D),
                      hist2)
    agg = _agg_call(ysp, eidx)
    out = _fin_call(agg, ysp, hist2, x, b.reshape(1, D))
    return out, h

# --- scband reference (transcript-rebuilt; emitter-appended) ---
"""Pipeline reference for scband-gcn-71743133712502 (READ-ONLY COPY).

The authoritative reference and input builder live on the scoring server;
editing this copy changes nothing except your own understanding.
"""

import jax, jax.numpy as jnp
import numpy as np

N_NODES = 10000
N_EDGES = 320000
HIDDEN = 128


def setup_inputs(seed: int = 0) -> dict:
    key = jax.random.key(seed)
    k1, k2, k3, k4, k5, k6, k7 = jax.random.split(key, 7)
    x = jax.random.normal(k1, (N_NODES, HIDDEN), dtype=jnp.float32)
    edge_index = jax.random.randint(k2, (2, N_EDGES), 0, N_NODES, dtype=jnp.int64)
    edge_attr = jax.random.normal(k3, (N_EDGES, 16), dtype=jnp.float32)
    h = jax.random.normal(k4, (N_NODES, HIDDEN), dtype=jnp.float32)
    batch = jnp.zeros((N_NODES,), dtype=jnp.int64)
    # learned parameters
    W = jax.random.normal(k5, (HIDDEN, HIDDEN), dtype=jnp.float32) * (1.0 / np.sqrt(HIDDEN))
    b = jnp.zeros((HIDDEN,), dtype=jnp.float32)
    ln_gamma = jnp.ones((HIDDEN,), dtype=jnp.float32)
    ln_beta = jnp.zeros((HIDDEN,), dtype=jnp.float32)
    return {"x": x, "edge_index": edge_index, "edge_attr": edge_attr, "h": h,
            "batch": batch, "W": W, "b": b, "ln_gamma": ln_gamma, "ln_beta": ln_beta}


def _layer_norm(x, gamma, beta, eps=1e-5):
    mean = jnp.mean(x, axis=-1, keepdims=True)
    var = jnp.mean((x - mean) ** 2, axis=-1, keepdims=True)
    return (x - mean) * jax.lax.rsqrt(var + eps) * gamma + beta


def _gcn_conv(x, edge_index, W, b):
    # GCNConv(improved=False, add_self_loops=True, normalize=True, bias=True)
    N = x.shape[0]
    loop = jnp.arange(N, dtype=edge_index.dtype)
    src = jnp.concatenate([edge_index[0], loop])
    dst = jnp.concatenate([edge_index[1], loop])
    ew = jnp.ones(src.shape[0], dtype=x.dtype)
    deg = jnp.zeros((N,), dtype=x.dtype).at[dst].add(ew)
    deg_inv_sqrt = jnp.where(deg > 0, deg ** -0.5, 0.0)
    norm = deg_inv_sqrt[src] * deg_inv_sqrt[dst]
    xw = x @ W
    msg = jnp.take(xw, src, axis=0) * norm[:, None]
    out = jnp.zeros_like(xw).at[dst].add(msg)
    return out + b


def reference(x, edge_index, edge_attr, h, batch, W, b, ln_gamma, ln_beta):
    identity = x
    # norm_block: LayerNorm + Dropout (eval mode -> dropout is identity, p=0.0)
    xn = _layer_norm(x, ln_gamma, ln_beta)
    xc = _gcn_conv(xn, edge_index, W, b)
    out = jax.nn.relu(xc + identity)
    return (out, h)

if __name__ == "__main__":
    import jax
    _d = setup_inputs()
    print(jax.jit(kernel)(*tuple(_d.values())))

</pallas_src>

<mosaic_0001>
#map = affine_map<(d0, d1) -> (0, 0)>
module attributes {stable_mosaic.version = 14 : i64} {
  func.func @hist_kernel(%arg0: i32, %arg1: i32, %arg2: memref<2x320000xi32, #tpu.memory_space<hbm>>, %arg3: memref<625x16xf32, #tpu.memory_space<hbm>>, %arg4: memref<20000xi32, #tpu.memory_space<vmem>>, %arg5: memref<640x16xf32, #tpu.memory_space<vmem>>, %arg6: memref<1x640xi32, #tpu.memory_space<vmem>>, %arg7: memref<640x16xf32, #tpu.memory_space<vmem_shared>>) attributes {dimension_semantics = [#tpu.dimension_semantics<core_parallel>, #tpu.dimension_semantics<subcore_parallel>], iteration_bounds = array<i64: 2, 16>, scalar_prefetch = 0 : i64, scratch_operands = 4 : i64, tpu.core_type = #tpu.core_type<sc_vector_subcore>, window_params = [{transform_indices = #map}, {transform_indices = #map}]} {
    %mul3A = arith.constant 20000 : i32
    %mul3A_0 = arith.muli %arg1, %mul3A : i32
    %run_scoped3A = arith.constant 1 : i32
    "tpu.region"() ({
      %run_scoped3A_28 = tpu.sem_alloc : memref<!tpu.dma_semaphore, #tpu.memory_space<semaphore_mem>>
      %dma_start3A = tpu.memref_slice %arg2[%run_scoped3A, %mul3A_0] : memref<2x320000xi32, #tpu.memory_space<hbm>> -> memref<1x20000xi32, #tpu.memory_space<hbm>>
      %dma_start3A_29 = tpu.memref_squeeze %dma_start3A : memref<1x20000xi32, #tpu.memory_space<hbm>> -> memref<20000xi32, #tpu.memory_space<hbm>>
      %dma_start3A_30 = tpu.memref_slice %arg2[%run_scoped3A, %mul3A_0] : memref<2x320000xi32, #tpu.memory_space<hbm>> -> memref<1x20000xi32, #tpu.memory_space<hbm>>
      %dma_start3A_31 = tpu.memref_squeeze %dma_start3A_30 : memref<1x20000xi32, #tpu.memory_space<hbm>> -> memref<20000xi32, #tpu.memory_space<hbm>>
      tpu.enqueue_dma source(%dma_start3A_31 : memref<20000xi32, #tpu.memory_space<hbm>>) target(%arg4 : memref<20000xi32, #tpu.memory_space<vmem>>) target_semaphore(%run_scoped3A_28 : memref<!tpu.dma_semaphore, #tpu.memory_space<semaphore_mem>>)
      %dma_wait3A = tpu.memref_slice %arg2[%run_scoped3A, %mul3A_0] : memref<2x320000xi32, #tpu.memory_space<hbm>> -> memref<1x20000xi32, #tpu.memory_space<hbm>>
      %dma_wait3A_32 = tpu.memref_squeeze %dma_wait3A : memref<1x20000xi32, #tpu.memory_space<hbm>> -> memref<20000xi32, #tpu.memory_space<hbm>>
      %dma_wait3A_33 = tpu.memref_slice %arg2[%run_scoped3A, %mul3A_0] : memref<2x320000xi32, #tpu.memory_space<hbm>> -> memref<1x20000xi32, #tpu.memory_space<hbm>>
      %dma_wait3A_34 = tpu.memref_squeeze %dma_wait3A_33 : memref<1x20000xi32, #tpu.memory_space<hbm>> -> memref<20000xi32, #tpu.memory_space<hbm>>
      tpu.wait_dma2 semaphore(%run_scoped3A_28 : memref<!tpu.dma_semaphore, #tpu.memory_space<semaphore_mem>>) src(%dma_wait3A_34 : memref<20000xi32, #tpu.memory_space<hbm>>) dst(%arg4 : memref<20000xi32, #tpu.memory_space<vmem>>)
      tpu.yield
    }) : () -> ()
    %broadcast_in_dim3A = arith.constant 0.000000e+00 : f32
    %broadcast_in_dim3A_1 = vector.broadcast %broadcast_in_dim3A : f32 to vector<16xf32>
    %scan3A = arith.constant 0 : i32
    %scan3A_2 = arith.constant 640 : i32
    %scan3A_3 = arith.addi %scan3A, %scan3A_2 : i32
    %scan3A_4 = arith.constant 1 : i32
    scf.for %scan3A_28 = %scan3A to %scan3A_3 step %scan3A_4  : i32 {
      %mul3A_29 = arith.constant 1 : i32
      %mul3A_30 = arith.muli %scan3A_28, %mul3A_29 : i32
      %add3A = arith.constant 0 : i32
      %add3A_31 = arith.addi %add3A, %mul3A_30 : i32
      %swap3A = arith.index_cast %add3A_31 : i32 to index
      %swap3A_32 = arith.constant 0 : index
      %swap3A_33 = tpu.vector_load %arg5[%swap3A, %swap3A_32] {strides = array<i32>} : memref<640x16xf32, #tpu.memory_space<vmem>>, vector<16xf32>,
      tpu.vector_store %arg5[%swap3A, %swap3A_32], %broadcast_in_dim3A_1 {strides = array<i32>} : memref<640x16xf32, #tpu.memory_space<vmem>>, vector<16xf32>,
    }
    %scan3A_5 = arith.constant 640 : i32
    %scan3A_6 = arith.constant 0 : i32
    %scan3A_7 = arith.constant 40 : i32
    %scan3A_8 = arith.addi %scan3A_6, %scan3A_7 : i32
    %scan3A_9 = arith.constant 1 : i32
    scf.for %scan3A_28 = %scan3A_6 to %scan3A_8 step %scan3A_9  : i32 {
      %mul3A_29 = arith.constant 16 : i32
      %mul3A_30 = arith.muli %scan3A_28, %mul3A_29 : i32
      %add3A = arith.constant 0 : i32
      %add3A_31 = arith.addi %add3A, %mul3A_30 : i32
      %iota3A = tpu.iota {dimensions = array<i32: 0>} : vector<16xi32>
      %add3A_32 = vector.broadcast %add3A_31 : i32 to vector<16xi32>
      %add3A_33 = arith.addi %iota3A, %add3A_32 : vector<16xi32>
      %swap3A = arith.constant 0 : i32
      %swap3A_34 = arith.index_cast %swap3A : i32 to index
      %swap3A_35 = arith.index_cast %add3A_31 : i32 to index
      %swap3A_36 = tpu.vector_load %arg6[%swap3A_34, %swap3A_35] {strides = array<i32>} : memref<1x640xi32, #tpu.memory_space<vmem>>, vector<16xi32>,
      tpu.vector_store %arg6[%swap3A_34, %swap3A_35], %add3A_33 {strides = array<i32>} : memref<1x640xi32, #tpu.memory_space<vmem>>, vector<16xi32>,
    }
    %scan3A_10 = arith.constant 40 : i32
    %eq3A = arith.constant 0 : i32
    %eq3A_11 = arith.cmpi eq, %arg1, %eq3A : i32
    %convert_element_type3A = arith.extui %eq3A_11 : i1 to i32
    %cond3A = arith.constant 0 : i32
    %cond3A_12 = arith.cmpi ne, %convert_element_type3A, %cond3A : i32
    scf.if %cond3A_12 {
      "tpu.region"() ({
        %run_scoped3A_28 = tpu.sem_alloc : memref<!tpu.dma_semaphore, #tpu.memory_space<semaphore_mem>>
        tpu.enqueue_dma source(%arg5 : memref<640x16xf32, #tpu.memory_space<vmem>>) target(%arg7 : memref<640x16xf32, #tpu.memory_space<vmem_shared>>) target_semaphore(%run_scoped3A_28 : memref<!tpu.dma_semaphore, #tpu.memory_space<semaphore_mem>>)
        tpu.wait_dma2 semaphore(%run_scoped3A_28 : memref<!tpu.dma_semaphore, #tpu.memory_space<semaphore_mem>>) src(%arg5 : memref<640x16xf32, #tpu.memory_space<vmem>>) dst(%arg7 : memref<640x16xf32, #tpu.memory_space<vmem_shared>>)
        tpu.yield
      }) : () -> ()
    } else {
    }
    %barrier3A = arith.constant 0 : index
    tpu.barrier barrier_id(%barrier3A)
    %broadcast_in_dim3A_13 = arith.constant 1.000000e+00 : f32
    %broadcast_in_dim3A_14 = vector.broadcast %broadcast_in_dim3A_13 : f32 to vector<16xf32>
    %eq3A_15 = arith.constant 0 : i32
    %eq3A_16 = arith.cmpi eq, %arg0, %eq3A_15 : i32
    %convert_element_type3A_17 = arith.extui %eq3A_16 : i1 to i32
    %cond3A_18 = arith.constant 0 : i32
    %cond3A_19 = arith.cmpi ne, %convert_element_type3A_17, %cond3A_18 : i32
    scf.if %cond3A_19 {
      %scan3A_28 = arith.constant 0 : i32
      %scan3A_29 = arith.constant 1250 : i32
      %scan3A_30 = arith.addi %scan3A_28, %scan3A_29 : i32
      %scan3A_31 = arith.constant 1 : i32
      scf.for %scan3A_34 = %scan3A_28 to %scan3A_30 step %scan3A_31  : i32 {
        %mul3A_35 = arith.constant 1 : i32
        %mul3A_36 = arith.muli %scan3A_34, %mul3A_35 : i32
        %add3A = arith.constant 0 : i32
        %add3A_37 = arith.addi %add3A, %mul3A_36 : i32
        %mul3A_38 = arith.constant 16 : i32
        %mul3A_39 = arith.muli %add3A_37, %mul3A_38 : i32
        %get3A = arith.index_cast %mul3A_39 : i32 to index
        %get3A_40 = tpu.vector_load %arg4[%get3A] {strides = array<i32>} : memref<20000xi32, #tpu.memory_space<vmem>>, vector<16xi32>,
        %shift_right_logical3A = arith.constant 4 : i32
        %shift_right_logical3A_41 = vector.broadcast %shift_right_logical3A : i32 to vector<16xi32>
        %shift_right_logical3A_42 = arith.shrui %get3A_40, %shift_right_logical3A_41 : vector<16xi32>
        %and3A_43 = arith.constant 15 : i32
        %and3A_44 = vector.broadcast %and3A_43 : i32 to vector<16xi32>
        %and3A_45 = arith.andi %get3A_40, %and3A_44 : vector<16xi32>
        tpu.vector_store_idx %arg5[%shift_right_logical3A_42, %and3A_45], %broadcast_in_dim3A_14 {add = true} : memref<640x16xf32, #tpu.memory_space<vmem>>[vector<16xi32>, vector<16xi32>], vector<16xf32>,
      }
      %scan3A_32 = arith.constant 1250 : i32
      %run_scoped3A_33 = arith.constant 0 : i32
      "tpu.region"() ({
        %run_scoped3A_34 = tpu.sem_alloc : memref<!tpu.dma_semaphore, #tpu.memory_space<semaphore_mem>>
        %dma_start3A = arith.constant 0 : i32
        %dma_start3A_35 = tpu.memref_slice %arg6[%run_scoped3A_33, %dma_start3A] : memref<1x640xi32, #tpu.memory_space<vmem>> -> memref<1x640xi32, #tpu.memory_space<vmem>>
        %dma_start3A_36 = tpu.memref_squeeze %dma_start3A_35 : memref<1x640xi32, #tpu.memory_space<vmem>> -> memref<640xi32, #tpu.memory_space<vmem>>
        %dma_start3A_37 = arith.constant 0 : i32
        %dma_start3A_38 = arith.constant 0 : i32
        %dma_start3A_39 = tpu.memref_slice %arg7[%dma_start3A_37, %dma_start3A_38] : memref<640x16xf32, #tpu.memory_space<vmem_shared>> -> memref<640x16xf32, #tpu.memory_space<vmem_shared>>
        tpu.enqueue_indirect_dma source(%arg5 : memref<640x16xf32, #tpu.memory_space<vmem>>) target(%dma_start3A_39 : memref<640x16xf32, #tpu.memory_space<vmem_shared>>) offsets(%dma_start3A_36 : memref<640xi32, #tpu.memory_space<vmem>>) semaphore(%run_scoped3A_34 : memref<!tpu.dma_semaphore, #tpu.memory_space<semaphore_mem>>) {add = true}
        %dma_wait3A = arith.constant 0 : i32
        %dma_wait3A_40 = tpu.memref_slice %arg6[%run_scoped3A_33, %dma_wait3A] : memref<1x640xi32, #tpu.memory_space<vmem>> -> memref<1x640xi32, #tpu.memory_space<vmem>>
        %dma_wait3A_41 = tpu.memref_squeeze %dma_wait3A_40 : memref<1x640xi32, #tpu.memory_space<vmem>> -> memref<640xi32, #tpu.memory_space<vmem>>
        %dma_wait3A_42 = arith.constant 0 : i32
        %dma_wait3A_43 = arith.constant 0 : i32
        %dma_wait3A_44 = tpu.memref_slice %arg7[%dma_wait3A_42, %dma_wait3A_43] : memref<640x16xf32, #tpu.memory_space<vmem_shared>> -> memref<640x16xf32, #tpu.memory_space<vmem_shared>>
        tpu.wait_indirect_dma semaphore(%run_scoped3A_34 : memref<!tpu.dma_semaphore, #tpu.memory_space<semaphore_mem>>) src(%arg5 : memref<640x16xf32, #tpu.memory_space<vmem>>) dst(%dma_wait3A_44 : memref<640x16xf32, #tpu.memory_space<vmem_shared>>)
        tpu.yield
      }) : () -> ()
    } else {
    }
    %barrier3A_20 = arith.constant 0 : index
    tpu.barrier barrier_id(%barrier3A_20)
    %eq3A_21 = arith.constant 0 : i32
    %eq3A_22 = arith.cmpi eq, %arg1, %eq3A_21 : i32
    %eq3A_23 = arith.constant 0 : i32
    %eq3A_24 = arith.cmpi eq, %arg0, %eq3A_23 : i32
    %and3A = arith.andi %eq3A_22, %eq3A_24 : i1
    %convert_element_type3A_25 = arith.extui %and3A : i1 to i32
    %cond3A_26 = arith.constant 0 : i32
    %cond3A_27 = arith.cmpi ne, %convert_element_type3A_25, %cond3A_26 : i32
    scf.if %cond3A_27 {
      "tpu.region"() ({
        %run_scoped3A_28 = tpu.sem_alloc : memref<!tpu.dma_semaphore, #tpu.memory_space<semaphore_mem>>
        %dma_start3A = arith.constant 0 : i32
        %dma_start3A_29 = arith.constant 0 : i32
        %dma_start3A_30 = tpu.memref_slice %arg7[%dma_start3A, %dma_start3A_29] : memref<640x16xf32, #tpu.memory_space<vmem_shared>> -> memref<625x16xf32, #tpu.memory_space<vmem_shared>>
        tpu.enqueue_dma source(%dma_start3A_30 : memref<625x16xf32, #tpu.memory_space<vmem_shared>>) target(%arg3 : memref<625x16xf32, #tpu.memory_space<hbm>>) target_semaphore(%run_scoped3A_28 : memref<!tpu.dma_semaphore, #tpu.memory_space<semaphore_mem>>)
        %dma_wait3A = arith.constant 0 : i32
        %dma_wait3A_31 = arith.constant 0 : i32
        %dma_wait3A_32 = tpu.memref_slice %arg7[%dma_wait3A, %dma_wait3A_31] : memref<640x16xf32, #tpu.memory_space<vmem_shared>> -> memref<625x16xf32, #tpu.memory_space<vmem_shared>>
        tpu.wait_dma2 semaphore(%run_scoped3A_28 : memref<!tpu.dma_semaphore, #tpu.memory_space<semaphore_mem>>) src(%dma_wait3A_32 : memref<625x16xf32, #tpu.memory_space<vmem_shared>>) dst(%arg3 : memref<625x16xf32, #tpu.memory_space<hbm>>)
        tpu.yield
      }) : () -> ()
    } else {
    }
    return
  }
}

#map = affine_map<(d0, d1) -> (0, 0, 0)>
#map1 = affine_map<(d0, d1) -> (0, 0)>
module attributes {stable_mosaic.version = 14 : i64} {
  func.func @agg_kernel(%arg0: i32, %arg1: i32, %arg2: memref<2x10000x64xf32, #tpu.memory_space<hbm>>, %arg3: memref<2x320000xi32, #tpu.memory_space<hbm>>, %arg4: memref<2x10000x64xf32, #tpu.memory_space<hbm>>, %arg5: memref<20000xi32, #tpu.memory_space<vmem>>, %arg6: memref<20000xi32, #tpu.memory_space<vmem>>, %arg7: memref<400x64xf32, #tpu.memory_space<vmem>>, %arg8: memref<125x64xf32, #tpu.memory_space<vmem>>, %arg9: memref<10000x64xf32, #tpu.memory_space<vmem_shared>>, %arg10: memref<!tpu.dma_semaphore, #tpu.memory_space<semaphore_mem>>, %arg11: memref<!tpu.dma_semaphore, #tpu.memory_space<semaphore_mem>>, %arg12: memref<!tpu.dma_semaphore, #tpu.memory_space<semaphore_mem>>, %arg13: memref<!tpu.dma_semaphore, #tpu.memory_space<semaphore_mem>>, %arg14: memref<!tpu.dma_semaphore, #tpu.memory_space<semaphore_mem>>, %arg15: memref<!tpu.dma_semaphore, #tpu.memory_space<semaphore_mem>>, %arg16: memref<!tpu.dma_semaphore, #tpu.memory_space<semaphore_mem>>, %arg17: memref<!tpu.dma_semaphore, #tpu.memory_space<semaphore_mem>>, %arg18: memref<!tpu.dma_semaphore, #tpu.memory_space<semaphore_mem>>, %arg19: memref<!tpu.dma_semaphore, #tpu.memory_space<semaphore_mem>>, %arg20: memref<!tpu.dma_semaphore, #tpu.memory_space<semaphore_mem>>) attributes {dimension_semantics = [#tpu.dimension_semantics<core_parallel>, #tpu.dimension_semantics<subcore_parallel>], iteration_bounds = array<i64: 2, 16>, scalar_prefetch = 0 : i64, scratch_operands = 16 : i64, tpu.core_type = #tpu.core_type<sc_vector_subcore>, window_params = [{transform_indices = #map}, {transform_indices = #map1}, {transform_indices = #map}]} {
    %mul3A = arith.constant 20000 : i32
    %mul3A_0 = arith.muli %arg1, %mul3A : i32
    %run_scoped3A = arith.constant 0 : i32
    "tpu.region"() ({
      %run_scoped3A_126 = tpu.sem_alloc : memref<!tpu.dma_semaphore, #tpu.memory_space<semaphore_mem>>
      %dma_start3A_127 = tpu.memref_slice %arg3[%run_scoped3A, %mul3A_0] : memref<2x320000xi32, #tpu.memory_space<hbm>> -> memref<1x20000xi32, #tpu.memory_space<hbm>>
      %dma_start3A_128 = tpu.memref_squeeze %dma_start3A_127 : memref<1x20000xi32, #tpu.memory_space<hbm>> -> memref<20000xi32, #tpu.memory_space<hbm>>
      %dma_start3A_129 = tpu.memref_slice %arg3[%run_scoped3A, %mul3A_0] : memref<2x320000xi32, #tpu.memory_space<hbm>> -> memref<1x20000xi32, #tpu.memory_space<hbm>>
      %dma_start3A_130 = tpu.memref_squeeze %dma_start3A_129 : memref<1x20000xi32, #tpu.memory_space<hbm>> -> memref<20000xi32, #tpu.memory_space<hbm>>
      tpu.enqueue_dma source(%dma_start3A_130 : memref<20000xi32, #tpu.memory_space<hbm>>) target(%arg5 : memref<20000xi32, #tpu.memory_space<vmem>>) target_semaphore(%run_scoped3A_126 : memref<!tpu.dma_semaphore, #tpu.memory_space<semaphore_mem>>)
      %dma_wait3A_131 = tpu.memref_slice %arg3[%run_scoped3A, %mul3A_0] : memref<2x320000xi32, #tpu.memory_space<hbm>> -> memref<1x20000xi32, #tpu.memory_space<hbm>>
      %dma_wait3A_132 = tpu.memref_squeeze %dma_wait3A_131 : memref<1x20000xi32, #tpu.memory_space<hbm>> -> memref<20000xi32, #tpu.memory_space<hbm>>
      %dma_wait3A_133 = tpu.memref_slice %arg3[%run_scoped3A, %mul3A_0] : memref<2x320000xi32, #tpu.memory_space<hbm>> -> memref<1x20000xi32, #tpu.memory_space<hbm>>
      %dma_wait3A_134 = tpu.memref_squeeze %dma_wait3A_133 : memref<1x20000xi32, #tpu.memory_space<hbm>> -> memref<20000xi32, #tpu.memory_space<hbm>>
      tpu.wait_dma2 semaphore(%run_scoped3A_126 : memref<!tpu.dma_semaphore, #tpu.memory_space<semaphore_mem>>) src(%dma_wait3A_134 : memref<20000xi32, #tpu.memory_space<hbm>>) dst(%arg5 : memref<20000xi32, #tpu.memory_space<vmem>>)
      tpu.yield
    }) : () -> ()
    %mul3A_1 = arith.constant 20000 : i32
    %mul3A_2 = arith.muli %arg1, %mul3A_1 : i32
    %run_scoped3A_3 = arith.constant 1 : i32
    "tpu.region"() ({
      %run_scoped3A_126 = tpu.sem_alloc : memref<!tpu.dma_semaphore, #tpu.memory_space<semaphore_mem>>
      %dma_start3A_127 = tpu.memref_slice %arg3[%run_scoped3A_3, %mul3A_2] : memref<2x320000xi32, #tpu.memory_space<hbm>> -> memref<1x20000xi32, #tpu.memory_space<hbm>>
      %dma_start3A_128 = tpu.memref_squeeze %dma_start3A_127 : memref<1x20000xi32, #tpu.memory_space<hbm>> -> memref<20000xi32, #tpu.memory_space<hbm>>
      %dma_start3A_129 = tpu.memref_slice %arg3[%run_scoped3A_3, %mul3A_2] : memref<2x320000xi32, #tpu.memory_space<hbm>> -> memref<1x20000xi32, #tpu.memory_space<hbm>>
      %dma_start3A_130 = tpu.memref_squeeze %dma_start3A_129 : memref<1x20000xi32, #tpu.memory_space<hbm>> -> memref<20000xi32, #tpu.memory_space<hbm>>
      tpu.enqueue_dma source(%dma_start3A_130 : memref<20000xi32, #tpu.memory_space<hbm>>) target(%arg6 : memref<20000xi32, #tpu.memory_space<vmem>>) target_semaphore(%run_scoped3A_126 : memref<!tpu.dma_semaphore, #tpu.memory_space<semaphore_mem>>)
      %dma_wait3A_131 = tpu.memref_slice %arg3[%run_scoped3A_3, %mul3A_2] : memref<2x320000xi32, #tpu.memory_space<hbm>> -> memref<1x20000xi32, #tpu.memory_space<hbm>>
      %dma_wait3A_132 = tpu.memref_squeeze %dma_wait3A_131 : memref<1x20000xi32, #tpu.memory_space<hbm>> -> memref<20000xi32, #tpu.memory_space<hbm>>
      %dma_wait3A_133 = tpu.memref_slice %arg3[%run_scoped3A_3, %mul3A_2] : memref<2x320000xi32, #tpu.memory_space<hbm>> -> memref<1x20000xi32, #tpu.memory_space<hbm>>
      %dma_wait3A_134 = tpu.memref_squeeze %dma_wait3A_133 : memref<1x20000xi32, #tpu.memory_space<hbm>> -> memref<20000xi32, #tpu.memory_space<hbm>>
      tpu.wait_dma2 semaphore(%run_scoped3A_126 : memref<!tpu.dma_semaphore, #tpu.memory_space<semaphore_mem>>) src(%dma_wait3A_134 : memref<20000xi32, #tpu.memory_space<hbm>>) dst(%arg6 : memref<20000xi32, #tpu.memory_space<vmem>>)
      tpu.yield
    }) : () -> ()
    %broadcast_in_dim3A = arith.constant 0.000000e+00 : f32
    %broadcast_in_dim3A_4 = vector.broadcast %broadcast_in_dim3A : f32 to vector<16xf32>
    %scan3A = arith.constant 0 : i32
    %scan3A_5 = arith.constant 125 : i32
    %scan3A_6 = arith.addi %scan3A, %scan3A_5 : i32
    %scan3A_7 = arith.constant 1 : i32
    scf.for %scan3A_126 = %scan3A to %scan3A_6 step %scan3A_7  : i32 {
      %mul3A_127 = arith.constant 1 : i32
      %mul3A_128 = arith.muli %scan3A_126, %mul3A_127 : i32
      %add3A_129 = arith.constant 0 : i32
      %add3A_130 = arith.addi %add3A_129, %mul3A_128 : i32
      %scan3A_131 = arith.constant 0 : i32
      %scan3A_132 = arith.constant 4 : i32
      %scan3A_133 = arith.addi %scan3A_131, %scan3A_132 : i32
      %scan3A_134 = arith.constant 1 : i32
      scf.for %scan3A_136 = %scan3A_131 to %scan3A_133 step %scan3A_134  : i32 {
        %mul3A_137 = arith.constant 16 : i32
        %mul3A_138 = arith.muli %scan3A_136, %mul3A_137 : i32
        %add3A_139 = arith.constant 0 : i32
        %add3A_140 = arith.addi %add3A_139, %mul3A_138 : i32
        %swap3A = arith.index_cast %add3A_130 : i32 to index
        %swap3A_141 = arith.index_cast %add3A_140 : i32 to index
        %swap3A_142 = tpu.vector_load %arg8[%swap3A, %swap3A_141] {strides = array<i32>} : memref<125x64xf32, #tpu.memory_space<vmem>>, vector<16xf32>,
        tpu.vector_store %arg8[%swap3A, %swap3A_141], %broadcast_in_dim3A_4 {strides = array<i32>} : memref<125x64xf32, #tpu.memory_space<vmem>>, vector<16xf32>,
      }
      %scan3A_135 = arith.constant 4 : i32
    }
    %scan3A_8 = arith.constant 125 : i32
    %mul3A_9 = arith.constant 625 : i32
    %mul3A_10 = arith.muli %arg1, %mul3A_9 : i32
    %add3A = arith.constant 0 : i32
    %add3A_11 = arith.addi %mul3A_10, %add3A : i32
    %dma_start3A = arith.constant 0 : i32
    %dma_start3A_12 = tpu.memref_slice %arg9[%add3A_11, %dma_start3A] : memref<10000x64xf32, #tpu.memory_space<vmem_shared>> -> memref<125x64xf32, #tpu.memory_space<vmem_shared>>
    %dma_start3A_13 = arith.constant 0 : i32
    %dma_start3A_14 = tpu.memref_slice %arg9[%add3A_11, %dma_start3A_13] : memref<10000x64xf32, #tpu.memory_space<vmem_shared>> -> memref<125x64xf32, #tpu.memory_space<vmem_shared>>
    tpu.enqueue_dma source(%arg8 : memref<125x64xf32, #tpu.memory_space<vmem>>) target(%dma_start3A_14 : memref<125x64xf32, #tpu.memory_space<vmem_shared>>) target_semaphore(%arg20 : memref<!tpu.dma_semaphore, #tpu.memory_space<semaphore_mem>>)
    %mul3A_15 = arith.constant 625 : i32
    %mul3A_16 = arith.muli %arg1, %mul3A_15 : i32
    %add3A_17 = arith.constant 125 : i32
    %add3A_18 = arith.addi %mul3A_16, %add3A_17 : i32
    %dma_start3A_19 = arith.constant 0 : i32
    %dma_start3A_20 = tpu.memref_slice %arg9[%add3A_18, %dma_start3A_19] : memref<10000x64xf32, #tpu.memory_space<vmem_shared>> -> memref<125x64xf32, #tpu.memory_space<vmem_shared>>
    %dma_start3A_21 = arith.constant 0 : i32
    %dma_start3A_22 = tpu.memref_slice %arg9[%add3A_18, %dma_start3A_21] : memref<10000x64xf32, #tpu.memory_space<vmem_shared>> -> memref<125x64xf32, #tpu.memory_space<vmem_shared>>
    tpu.enqueue_dma source(%arg8 : memref<125x64xf32, #tpu.memory_space<vmem>>) target(%dma_start3A_22 : memref<125x64xf32, #tpu.memory_space<vmem_shared>>) target_semaphore(%arg20 : memref<!tpu.dma_semaphore, #tpu.memory_space<semaphore_mem>>)
    %mul3A_23 = arith.constant 625 : i32
    %mul3A_24 = arith.muli %arg1, %mul3A_23 : i32
    %add3A_25 = arith.constant 250 : i32
    %add3A_26 = arith.addi %mul3A_24, %add3A_25 : i32
    %dma_start3A_27 = arith.constant 0 : i32
    %dma_start3A_28 = tpu.memref_slice %arg9[%add3A_26, %dma_start3A_27] : memref<10000x64xf32, #tpu.memory_space<vmem_shared>> -> memref<125x64xf32, #tpu.memory_space<vmem_shared>>
    %dma_start3A_29 = arith.constant 0 : i32
    %dma_start3A_30 = tpu.memref_slice %arg9[%add3A_26, %dma_start3A_29] : memref<10000x64xf32, #tpu.memory_space<vmem_shared>> -> memref<125x64xf32, #tpu.memory_space<vmem_shared>>
    tpu.enqueue_dma source(%arg8 : memref<125x64xf32, #tpu.memory_space<vmem>>) target(%dma_start3A_30 : memref<125x64xf32, #tpu.memory_space<vmem_shared>>) target_semaphore(%arg20 : memref<!tpu.dma_semaphore, #tpu.memory_space<semaphore_mem>>)
    %mul3A_31 = arith.constant 625 : i32
    %mul3A_32 = arith.muli %arg1, %mul3A_31 : i32
    %add3A_33 = arith.constant 375 : i32
    %add3A_34 = arith.addi %mul3A_32, %add3A_33 : i32
    %dma_start3A_35 = arith.constant 0 : i32
    %dma_start3A_36 = tpu.memref_slice %arg9[%add3A_34, %dma_start3A_35] : memref<10000x64xf32, #tpu.memory_space<vmem_shared>> -> memref<125x64xf32, #tpu.memory_space<vmem_shared>>
    %dma_start3A_37 = arith.constant 0 : i32
    %dma_start3A_38 = tpu.memref_slice %arg9[%add3A_34, %dma_start3A_37] : memref<10000x64xf32, #tpu.memory_space<vmem_shared>> -> memref<125x64xf32, #tpu.memory_space<vmem_shared>>
    tpu.enqueue_dma source(%arg8 : memref<125x64xf32, #tpu.memory_space<vmem>>) target(%dma_start3A_38 : memref<125x64xf32, #tpu.memory_space<vmem_shared>>) target_semaphore(%arg20 : memref<!tpu.dma_semaphore, #tpu.memory_space<semaphore_mem>>)
    %mul3A_39 = arith.constant 625 : i32
    %mul3A_40 = arith.muli %arg1, %mul3A_39 : i32
    %add3A_41 = arith.constant 500 : i32
    %add3A_42 = arith.addi %mul3A_40, %add3A_41 : i32
    %dma_start3A_43 = arith.constant 0 : i32
    %dma_start3A_44 = tpu.memref_slice %arg9[%add3A_42, %dma_start3A_43] : memref<10000x64xf32, #tpu.memory_space<vmem_shared>> -> memref<125x64xf32, #tpu.memory_space<vmem_shared>>
    %dma_start3A_45 = arith.constant 0 : i32
    %dma_start3A_46 = tpu.memref_slice %arg9[%add3A_42, %dma_start3A_45] : memref<10000x64xf32, #tpu.memory_space<vmem_shared>> -> memref<125x64xf32, #tpu.memory_space<vmem_shared>>
    tpu.enqueue_dma source(%arg8 : memref<125x64xf32, #tpu.memory_space<vmem>>) target(%dma_start3A_46 : memref<125x64xf32, #tpu.memory_space<vmem_shared>>) target_semaphore(%arg20 : memref<!tpu.dma_semaphore, #tpu.memory_space<semaphore_mem>>)
    %dma_wait3A = arith.constant 0 : i32
    %dma_wait3A_47 = tpu.memref_slice %arg9[%add3A_11, %dma_wait3A] : memref<10000x64xf32, #tpu.memory_space<vmem_shared>> -> memref<125x64xf32, #tpu.memory_space<vmem_shared>>
    %dma_wait3A_48 = arith.constant 0 : i32
    %dma_wait3A_49 = tpu.memref_slice %arg9[%add3A_11, %dma_wait3A_48] : memref<10000x64xf32, #tpu.memory_space<vmem_shared>> -> memref<125x64xf32, #tpu.memory_space<vmem_shared>>
    tpu.wait_dma2 semaphore(%arg20 : memref<!tpu.dma_semaphore, #tpu.memory_space<semaphore_mem>>) src(%arg8 : memref<125x64xf32, #tpu.memory_space<vmem>>) dst(%dma_wait3A_49 : memref<125x64xf32, #tpu.memory_space<vmem_shared>>)
    %dma_wait3A_50 = arith.constant 0 : i32
    %dma_wait3A_51 = tpu.memref_slice %arg9[%add3A_18, %dma_wait3A_50] : memref<10000x64xf32, #tpu.memory_space<vmem_shared>> -> memref<125x64xf32, #tpu.memory_space<vmem_shared>>
    %dma_wait3A_52 = arith.constant 0 : i32
    %dma_wait3A_53 = tpu.memref_slice %arg9[%add3A_18, %dma_wait3A_52] : memref<10000x64xf32, #tpu.memory_space<vmem_shared>> -> memref<125x64xf32, #tpu.memory_space<vmem_shared>>
    tpu.wait_dma2 semaphore(%arg20 : memref<!tpu.dma_semaphore, #tpu.memory_space<semaphore_mem>>) src(%arg8 : memref<125x64xf32, #tpu.memory_space<vmem>>) dst(%dma_wait3A_53 : memref<125x64xf32, #tpu.memory_space<vmem_shared>>)
    %dma_wait3A_54 = arith.constant 0 : i32
    %dma_wait3A_55 = tpu.memref_slice %arg9[%add3A_26, %dma_wait3A_54] : memref<10000x64xf32, #tpu.memory_space<vmem_shared>> -> memref<125x64xf32, #tpu.memory_space<vmem_shared>>
    %dma_wait3A_56 = arith.constant 0 : i32
    %dma_wait3A_57 = tpu.memref_slice %arg9[%add3A_26, %dma_wait3A_56] : memref<10000x64xf32, #tpu.memory_space<vmem_shared>> -> memref<125x64xf32, #tpu.memory_space<vmem_shared>>
    tpu.wait_dma2 semaphore(%arg20 : memref<!tpu.dma_semaphore, #tpu.memory_space<semaphore_mem>>) src(%arg8 : memref<125x64xf32, #tpu.memory_space<vmem>>) dst(%dma_wait3A_57 : memref<125x64xf32, #tpu.memory_space<vmem_shared>>)
    %dma_wait3A_58 = arith.constant 0 : i32
    %dma_wait3A_59 = tpu.memref_slice %arg9[%add3A_34, %dma_wait3A_58] : memref<10000x64xf32, #tpu.memory_space<vmem_shared>> -> memref<125x64xf32, #tpu.memory_space<vmem_shared>>
    %dma_wait3A_60 = arith.constant 0 : i32
    %dma_wait3A_61 = tpu.memref_slice %arg9[%add3A_34, %dma_wait3A_60] : memref<10000x64xf32, #tpu.memory_space<vmem_shared>> -> memref<125x64xf32, #tpu.memory_space<vmem_shared>>
    tpu.wait_dma2 semaphore(%arg20 : memref<!tpu.dma_semaphore, #tpu.memory_space<semaphore_mem>>) src(%arg8 : memref<125x64xf32, #tpu.memory_space<vmem>>) dst(%dma_wait3A_61 : memref<125x64xf32, #tpu.memory_space<vmem_shared>>)
    %dma_wait3A_62 = arith.constant 0 : i32
    %dma_wait3A_63 = tpu.memref_slice %arg9[%add3A_42, %dma_wait3A_62] : memref<10000x64xf32, #tpu.memory_space<vmem_shared>> -> memref<125x64xf32, #tpu.memory_space<vmem_shared>>
    %dma_wait3A_64 = arith.constant 0 : i32
    %dma_wait3A_65 = tpu.memref_slice %arg9[%add3A_42, %dma_wait3A_64] : memref<10000x64xf32, #tpu.memory_space<vmem_shared>> -> memref<125x64xf32, #tpu.memory_space<vmem_shared>>
    tpu.wait_dma2 semaphore(%arg20 : memref<!tpu.dma_semaphore, #tpu.memory_space<semaphore_mem>>) src(%arg8 : memref<125x64xf32, #tpu.memory_space<vmem>>) dst(%dma_wait3A_65 : memref<125x64xf32, #tpu.memory_space<vmem_shared>>)
    %barrier3A = arith.constant 0 : index
    tpu.barrier barrier_id(%barrier3A)
    %scan3A_66 = arith.constant 0 : i32
    %scan3A_67 = arith.constant 50 : i32
    %scan3A_68 = arith.addi %scan3A_66, %scan3A_67 : i32
    %scan3A_69 = arith.constant 1 : i32
    scf.for %scan3A_126 = %scan3A_66 to %scan3A_68 step %scan3A_69  : i32 {
      %mul3A_127 = arith.constant 5 : i32
      %mul3A_128 = arith.muli %scan3A_126, %mul3A_127 : i32
      %add3A_129 = arith.constant 0 : i32
      %add3A_130 = arith.addi %add3A_129, %mul3A_128 : i32
      %ge3A = arith.constant 5 : i32
      %ge3A_131 = arith.cmpi sge, %add3A_130, %ge3A : i32
      %convert_element_type3A = arith.extui %ge3A_131 : i1 to i32
      %cond3A = arith.constant 0 : i32
      %cond3A_132 = arith.cmpi ne, %convert_element_type3A, %cond3A : i32
      scf.if %cond3A_132 {
        %add3A_338 = arith.constant 0 : i32
        %add3A_339 = arith.addi %add3A_130, %add3A_338 : i32
        %mul3A_340 = arith.constant 80 : i32
        %mul3A_341 = arith.muli %add3A_339, %mul3A_340 : i32
        %dma_wait3A_342 = arith.constant 0 : i32
        %dma_wait3A_343 = arith.constant 0 : i32
        %dma_wait3A_344 = tpu.memref_slice %arg7[%dma_wait3A_342, %dma_wait3A_343] : memref<400x64xf32, #tpu.memory_space<vmem>> -> memref<80x64xf32, #tpu.memory_space<vmem>>
        %dma_wait3A_345 = tpu.memref_slice %arg6[%mul3A_341] : memref<20000xi32, #tpu.memory_space<vmem>> -> memref<80xi32, #tpu.memory_space<vmem>>
        %dma_wait3A_346 = arith.constant 0 : i32
        %dma_wait3A_347 = arith.constant 0 : i32
        %dma_wait3A_348 = tpu.memref_slice %arg9[%dma_wait3A_346, %dma_wait3A_347] : memref<10000x64xf32, #tpu.memory_space<vmem_shared>> -> memref<10000x64xf32, #tpu.memory_space<vmem_shared>>
        tpu.wait_indirect_dma semaphore(%arg15 : memref<!tpu.dma_semaphore, #tpu.memory_space<semaphore_mem>>) src(%dma_wait3A_344 : memref<80x64xf32, #tpu.memory_space<vmem>>) dst(%dma_wait3A_348 : memref<10000x64xf32, #tpu.memory_space<vmem_shared>>)
      } else {
      }
      %add3A_133 = arith.constant 0 : i32
      %add3A_134 = arith.addi %add3A_130, %add3A_133 : i32
      %mul3A_135 = arith.constant 80 : i32
      %mul3A_136 = arith.muli %add3A_134, %mul3A_135 : i32
      %dma_start3A_137 = arith.constant 0 : i32
      %dma_start3A_138 = arith.constant 0 : i32
      %dma_start3A_139 = tpu.memref_slice %arg7[%dma_start3A_137, %dma_start3A_138] : memref<400x64xf32, #tpu.memory_space<vmem>> -> memref<80x64xf32, #tpu.memory_space<vmem>>
      %dma_start3A_140 = tpu.memref_slice %arg5[%mul3A_136] : memref<20000xi32, #tpu.memory_space<vmem>> -> memref<80xi32, #tpu.memory_space<vmem>>
      %dma_start3A_141 = arith.constant 0 : i32
      %dma_start3A_142 = arith.constant 0 : i32
      %dma_start3A_143 = tpu.memref_slice %arg2[%arg0, %dma_start3A_141, %dma_start3A_142] : memref<2x10000x64xf32, #tpu.memory_space<hbm>> -> memref<1x10000x64xf32, #tpu.memory_space<hbm>>
      %dma_start3A_144 = tpu.memref_squeeze %dma_start3A_143 : memref<1x10000x64xf32, #tpu.memory_space<hbm>> -> memref<10000x64xf32, #tpu.memory_space<hbm>>
      %dma_start3A_145 = arith.constant 0 : i32
      %dma_start3A_146 = arith.constant 0 : i32
      %dma_start3A_147 = tpu.memref_slice %dma_start3A_144[%dma_start3A_145, %dma_start3A_146] : memref<10000x64xf32, #tpu.memory_space<hbm>> -> memref<10000x64xf32, #tpu.memory_space<hbm>>
      tpu.enqueue_indirect_dma source(%dma_start3A_147 : memref<10000x64xf32, #tpu.memory_space<hbm>>) target(%dma_start3A_139 : memref<80x64xf32, #tpu.memory_space<vmem>>) offsets(%dma_start3A_140 : memref<80xi32, #tpu.memory_space<vmem>>) semaphore(%arg10 : memref<!tpu.dma_semaphore, #tpu.memory_space<semaphore_mem>>)
      %ge3A_148 = arith.constant 5 : i32
      %ge3A_149 = arith.cmpi sge, %add3A_130, %ge3A_148 : i32
      %convert_element_type3A_150 = arith.extui %ge3A_149 : i1 to i32
      %cond3A_151 = arith.constant 0 : i32
      %cond3A_152 = arith.cmpi ne, %convert_element_type3A_150, %cond3A_151 : i32
      scf.if %cond3A_152 {
        %add3A_338 = arith.constant 1 : i32
        %add3A_339 = arith.addi %add3A_130, %add3A_338 : i32
        %mul3A_340 = arith.constant 80 : i32
        %mul3A_341 = arith.muli %add3A_339, %mul3A_340 : i32
        %dma_wait3A_342 = arith.constant 80 : i32
        %dma_wait3A_343 = arith.constant 0 : i32
        %dma_wait3A_344 = tpu.memref_slice %arg7[%dma_wait3A_342, %dma_wait3A_343] : memref<400x64xf32, #tpu.memory_space<vmem>> -> memref<80x64xf32, #tpu.memory_space<vmem>>
        %dma_wait3A_345 = tpu.memref_slice %arg6[%mul3A_341] : memref<20000xi32, #tpu.memory_space<vmem>> -> memref<80xi32, #tpu.memory_space<vmem>>
        %dma_wait3A_346 = arith.constant 0 : i32
        %dma_wait3A_347 = arith.constant 0 : i32
        %dma_wait3A_348 = tpu.memref_slice %arg9[%dma_wait3A_346, %dma_wait3A_347] : memref<10000x64xf32, #tpu.memory_space<vmem_shared>> -> memref<10000x64xf32, #tpu.memory_space<vmem_shared>>
        tpu.wait_indirect_dma semaphore(%arg16 : memref<!tpu.dma_semaphore, #tpu.memory_space<semaphore_mem>>) src(%dma_wait3A_344 : memref<80x64xf32, #tpu.memory_space<vmem>>) dst(%dma_wait3A_348 : memref<10000x64xf32, #tpu.memory_space<vmem_shared>>)
      } else {
      }
      %add3A_153 = arith.constant 1 : i32
      %add3A_154 = arith.addi %add3A_130, %add3A_153 : i32
      %mul3A_155 = arith.constant 80 : i32
      %mul3A_156 = arith.muli %add3A_154, %mul3A_155 : i32
      %dma_start3A_157 = arith.constant 80 : i32
      %dma_start3A_158 = arith.constant 0 : i32
      %dma_start3A_159 = tpu.memref_slice %arg7[%dma_start3A_157, %dma_start3A_158] : memref<400x64xf32, #tpu.memory_space<vmem>> -> memref<80x64xf32, #tpu.memory_space<vmem>>
      %dma_start3A_160 = tpu.memref_slice %arg5[%mul3A_156] : memref<20000xi32, #tpu.memory_space<vmem>> -> memref<80xi32, #tpu.memory_space<vmem>>
      %dma_start3A_161 = arith.constant 0 : i32
      %dma_start3A_162 = arith.constant 0 : i32
      %dma_start3A_163 = tpu.memref_slice %arg2[%arg0, %dma_start3A_161, %dma_start3A_162] : memref<2x10000x64xf32, #tpu.memory_space<hbm>> -> memref<1x10000x64xf32, #tpu.memory_space<hbm>>
      %dma_start3A_164 = tpu.memref_squeeze %dma_start3A_163 : memref<1x10000x64xf32, #tpu.memory_space<hbm>> -> memref<10000x64xf32, #tpu.memory_space<hbm>>
      %dma_start3A_165 = arith.constant 0 : i32
      %dma_start3A_166 = arith.constant 0 : i32
      %dma_start3A_167 = tpu.memref_slice %dma_start3A_164[%dma_start3A_165, %dma_start3A_166] : memref<10000x64xf32, #tpu.memory_space<hbm>> -> memref<10000x64xf32, #tpu.memory_space<hbm>>
      tpu.enqueue_indirect_dma source(%dma_start3A_167 : memref<10000x64xf32, #tpu.memory_space<hbm>>) target(%dma_start3A_159 : memref<80x64xf32, #tpu.memory_space<vmem>>) offsets(%dma_start3A_160 : memref<80xi32, #tpu.memory_space<vmem>>) semaphore(%arg11 : memref<!tpu.dma_semaphore, #tpu.memory_space<semaphore_mem>>)
      %ge3A_168 = arith.constant 5 : i32
      %ge3A_169 = arith.cmpi sge, %add3A_130, %ge3A_168 : i32
      %convert_element_type3A_170 = arith.extui %ge3A_169 : i1 to i32
      %cond3A_171 = arith.constant 0 : i32
      %cond3A_172 = arith.cmpi ne, %convert_element_type3A_170, %cond3A_171 : i32
      scf.if %cond3A_172 {
        %add3A_338 = arith.constant 2 : i32
        %add3A_339 = arith.addi %add3A_130, %add3A_338 : i32
        %mul3A_340 = arith.constant 80 : i32
        %mul3A_341 = arith.muli %add3A_339, %mul3A_340 : i32
        %dma_wait3A_342 = arith.constant 160 : i32
        %dma_wait3A_343 = arith.constant 0 : i32
        %dma_wait3A_344 = tpu.memref_slice %arg7[%dma_wait3A_342, %dma_wait3A_343] : memref<400x64xf32, #tpu.memory_space<vmem>> -> memref<80x64xf32, #tpu.memory_space<vmem>>
        %dma_wait3A_345 = tpu.memref_slice %arg6[%mul3A_341] : memref<20000xi32, #tpu.memory_space<vmem>> -> memref<80xi32, #tpu.memory_space<vmem>>
        %dma_wait3A_346 = arith.constant 0 : i32
        %dma_wait3A_347 = arith.constant 0 : i32
        %dma_wait3A_348 = tpu.memref_slice %arg9[%dma_wait3A_346, %dma_wait3A_347] : memref<10000x64xf32, #tpu.memory_space<vmem_shared>> -> memref<10000x64xf32, #tpu.memory_space<vmem_shared>>
        tpu.wait_indirect_dma semaphore(%arg17 : memref<!tpu.dma_semaphore, #tpu.memory_space<semaphore_mem>>) src(%dma_wait3A_344 : memref<80x64xf32, #tpu.memory_space<vmem>>) dst(%dma_wait3A_348 : memref<10000x64xf32, #tpu.memory_space<vmem_shared>>)
      } else {
      }
      %add3A_173 = arith.constant 2 : i32
      %add3A_174 = arith.addi %add3A_130, %add3A_173 : i32
      %mul3A_175 = arith.constant 80 : i32
      %mul3A_176 = arith.muli %add3A_174, %mul3A_175 : i32
      %dma_start3A_177 = arith.constant 160 : i32
      %dma_start3A_178 = arith.constant 0 : i32
      %dma_start3A_179 = tpu.memref_slice %arg7[%dma_start3A_177, %dma_start3A_178] : memref<400x64xf32, #tpu.memory_space<vmem>> -> memref<80x64xf32, #tpu.memory_space<vmem>>
      %dma_start3A_180 = tpu.memref_slice %arg5[%mul3A_176] : memref<20000xi32, #tpu.memory_space<vmem>> -> memref<80xi32, #tpu.memory_space<vmem>>
      %dma_start3A_181 = arith.constant 0 : i32
      %dma_start3A_182 = arith.constant 0 : i32
      %dma_start3A_183 = tpu.memref_slice %arg2[%arg0, %dma_start3A_181, %dma_start3A_182] : memref<2x10000x64xf32, #tpu.memory_space<hbm>> -> memref<1x10000x64xf32, #tpu.memory_space<hbm>>
      %dma_start3A_184 = tpu.memref_squeeze %dma_start3A_183 : memref<1x10000x64xf32, #tpu.memory_space<hbm>> -> memref<10000x64xf32, #tpu.memory_space<hbm>>
      %dma_start3A_185 = arith.constant 0 : i32
      %dma_start3A_186 = arith.constant 0 : i32
      %dma_start3A_187 = tpu.memref_slice %dma_start3A_184[%dma_start3A_185, %dma_start3A_186] : memref<10000x64xf32, #tpu.memory_space<hbm>> -> memref<10000x64xf32, #tpu.memory_space<hbm>>
      tpu.enqueue_indirect_dma source(%dma_start3A_187 : memref<10000x64xf32, #tpu.memory_space<hbm>>) target(%dma_start3A_179 : memref<80x64xf32, #tpu.memory_space<vmem>>) offsets(%dma_start3A_180 : memref<80xi32, #tpu.memory_space<vmem>>) semaphore(%arg12 : memref<!tpu.dma_semaphore, #tpu.memory_space<semaphore_mem>>)
      %ge3A_188 = arith.constant 5 : i32
      %ge3A_189 = arith.cmpi sge, %add3A_130, %ge3A_188 : i32
      %convert_element_type3A_190 = arith.extui %ge3A_189 : i1 to i32
      %cond3A_191 = arith.constant 0 : i32
      %cond3A_192 = arith.cmpi ne, %convert_element_type3A_190, %cond3A_191 : i32
      scf.if %cond3A_192 {
        %add3A_338 = arith.constant 3 : i32
        %add3A_339 = arith.addi %add3A_130, %add3A_338 : i32
        %mul3A_340 = arith.constant 80 : i32
        %mul3A_341 = arith.muli %add3A_339, %mul3A_340 : i32
        %dma_wait3A_342 = arith.constant 240 : i32
        %dma_wait3A_343 = arith.constant 0 : i32
        %dma_wait3A_344 = tpu.memref_slice %arg7[%dma_wait3A_342, %dma_wait3A_343] : memref<400x64xf32, #tpu.memory_space<vmem>> -> memref<80x64xf32, #tpu.memory_space<vmem>>
        %dma_wait3A_345 = tpu.memref_slice %arg6[%mul3A_341] : memref<20000xi32, #tpu.memory_space<vmem>> -> memref<80xi32, #tpu.memory_space<vmem>>
        %dma_wait3A_346 = arith.constant 0 : i32
        %dma_wait3A_347 = arith.constant 0 : i32
        %dma_wait3A_348 = tpu.memref_slice %arg9[%dma_wait3A_346, %dma_wait3A_347] : memref<10000x64xf32, #tpu.memory_space<vmem_shared>> -> memref<10000x64xf32, #tpu.memory_space<vmem_shared>>
        tpu.wait_indirect_dma semaphore(%arg18 : memref<!tpu.dma_semaphore, #tpu.memory_space<semaphore_mem>>) src(%dma_wait3A_344 : memref<80x64xf32, #tpu.memory_space<vmem>>) dst(%dma_wait3A_348 : memref<10000x64xf32, #tpu.memory_space<vmem_shared>>)
      } else {
      }
      %add3A_193 = arith.constant 3 : i32
      %add3A_194 = arith.addi %add3A_130, %add3A_193 : i32
      %mul3A_195 = arith.constant 80 : i32
      %mul3A_196 = arith.muli %add3A_194, %mul3A_195 : i32
      %dma_start3A_197 = arith.constant 240 : i32
      %dma_start3A_198 = arith.constant 0 : i32
      %dma_start3A_199 = tpu.memref_slice %arg7[%dma_start3A_197, %dma_start3A_198] : memref<400x64xf32, #tpu.memory_space<vmem>> -> memref<80x64xf32, #tpu.memory_space<vmem>>
      %dma_start3A_200 = tpu.memref_slice %arg5[%mul3A_196] : memref<20000xi32, #tpu.memory_space<vmem>> -> memref<80xi32, #tpu.memory_space<vmem>>
      %dma_start3A_201 = arith.constant 0 : i32
      %dma_start3A_202 = arith.constant 0 : i32
      %dma_start3A_203 = tpu.memref_slice %arg2[%arg0, %dma_start3A_201, %dma_start3A_202] : memref<2x10000x64xf32, #tpu.memory_space<hbm>> -> memref<1x10000x64xf32, #tpu.memory_space<hbm>>
      %dma_start3A_204 = tpu.memref_squeeze %dma_start3A_203 : memref<1x10000x64xf32, #tpu.memory_space<hbm>> -> memref<10000x64xf32, #tpu.memory_space<hbm>>
      %dma_start3A_205 = arith.constant 0 : i32
      %dma_start3A_206 = arith.constant 0 : i32
      %dma_start3A_207 = tpu.memref_slice %dma_start3A_204[%dma_start3A_205, %dma_start3A_206] : memref<10000x64xf32, #tpu.memory_space<hbm>> -> memref<10000x64xf32, #tpu.memory_space<hbm>>
      tpu.enqueue_indirect_dma source(%dma_start3A_207 : memref<10000x64xf32, #tpu.memory_space<hbm>>) target(%dma_start3A_199 : memref<80x64xf32, #tpu.memory_space<vmem>>) offsets(%dma_start3A_200 : memref<80xi32, #tpu.memory_space<vmem>>) semaphore(%arg13 : memref<!tpu.dma_semaphore, #tpu.memory_space<semaphore_mem>>)
      %ge3A_208 = arith.constant 5 : i32
      %ge3A_209 = arith.cmpi sge, %add3A_130, %ge3A_208 : i32
      %convert_element_type3A_210 = arith.extui %ge3A_209 : i1 to i32
      %cond3A_211 = arith.constant 0 : i32
      %cond3A_212 = arith.cmpi ne, %convert_element_type3A_210, %cond3A_211 : i32
      scf.if %cond3A_212 {
        %add3A_338 = arith.constant 4 : i32
        %add3A_339 = arith.addi %add3A_130, %add3A_338 : i32
        %mul3A_340 = arith.constant 80 : i32
        %mul3A_341 = arith.muli %add3A_339, %mul3A_340 : i32
        %dma_wait3A_342 = arith.constant 320 : i32
        %dma_wait3A_343 = arith.constant 0 : i32
        %dma_wait3A_344 = tpu.memref_slice %arg7[%dma_wait3A_342, %dma_wait3A_343] : memref<400x64xf32, #tpu.memory_space<vmem>> -> memref<80x64xf32, #tpu.memory_space<vmem>>
        %dma_wait3A_345 = tpu.memref_slice %arg6[%mul3A_341] : memref<20000xi32, #tpu.memory_space<vmem>> -> memref<80xi32, #tpu.memory_space<vmem>>
        %dma_wait3A_346 = arith.constant 0 : i32
        %dma_wait3A_347 = arith.constant 0 : i32
        %dma_wait3A_348 = tpu.memref_slice %arg9[%dma_wait3A_346, %dma_wait3A_347] : memref<10000x64xf32, #tpu.memory_space<vmem_shared>> -> memref<10000x64xf32, #tpu.memory_space<vmem_shared>>
        tpu.wait_indirect_dma semaphore(%arg19 : memref<!tpu.dma_semaphore, #tpu.memory_space<semaphore_mem>>) src(%dma_wait3A_344 : memref<80x64xf32, #tpu.memory_space<vmem>>) dst(%dma_wait3A_348 : memref<10000x64xf32, #tpu.memory_space<vmem_shared>>)
      } else {
      }
      %add3A_213 = arith.constant 4 : i32
      %add3A_214 = arith.addi %add3A_130, %add3A_213 : i32
      %mul3A_215 = arith.constant 80 : i32
      %mul3A_216 = arith.muli %add3A_214, %mul3A_215 : i32
      %dma_start3A_217 = arith.constant 320 : i32
      %dma_start3A_218 = arith.constant 0 : i32
      %dma_start3A_219 = tpu.memref_slice %arg7[%dma_start3A_217, %dma_start3A_218] : memref<400x64xf32, #tpu.memory_space<vmem>> -> memref<80x64xf32, #tpu.memory_space<vmem>>
      %dma_start3A_220 = tpu.memref_slice %arg5[%mul3A_216] : memref<20000xi32, #tpu.memory_space<vmem>> -> memref<80xi32, #tpu.memory_space<vmem>>
      %dma_start3A_221 = arith.constant 0 : i32
      %dma_start3A_222 = arith.constant 0 : i32
      %dma_start3A_223 = tpu.memref_slice %arg2[%arg0, %dma_start3A_221, %dma_start3A_222] : memref<2x10000x64xf32, #tpu.memory_space<hbm>> -> memref<1x10000x64xf32, #tpu.memory_space<hbm>>
      %dma_start3A_224 = tpu.memref_squeeze %dma_start3A_223 : memref<1x10000x64xf32, #tpu.memory_space<hbm>> -> memref<10000x64xf32, #tpu.memory_space<hbm>>
      %dma_start3A_225 = arith.constant 0 : i32
      %dma_start3A_226 = arith.constant 0 : i32
      %dma_start3A_227 = tpu.memref_slice %dma_start3A_224[%dma_start3A_225, %dma_start3A_226] : memref<10000x64xf32, #tpu.memory_space<hbm>> -> memref<10000x64xf32, #tpu.memory_space<hbm>>
      tpu.enqueue_indirect_dma source(%dma_start3A_227 : memref<10000x64xf32, #tpu.memory_space<hbm>>) target(%dma_start3A_219 : memref<80x64xf32, #tpu.memory_space<vmem>>) offsets(%dma_start3A_220 : memref<80xi32, #tpu.memory_space<vmem>>) semaphore(%arg14 : memref<!tpu.dma_semaphore, #tpu.memory_space<semaphore_mem>>)
      %dma_wait3A_228 = arith.constant 0 : i32
      %dma_wait3A_229 = arith.constant 0 : i32
      %dma_wait3A_230 = tpu.memref_slice %arg7[%dma_wait3A_228, %dma_wait3A_229] : memref<400x64xf32, #tpu.memory_space<vmem>> -> memref<80x64xf32, #tpu.memory_space<vmem>>
      %dma_wait3A_231 = tpu.memref_slice %arg5[%mul3A_136] : memref<20000xi32, #tpu.memory_space<vmem>> -> memref<80xi32, #tpu.memory_space<vmem>>
      %dma_wait3A_232 = arith.constant 0 : i32
      %dma_wait3A_233 = arith.constant 0 : i32
      %dma_wait3A_234 = tpu.memref_slice %arg2[%arg0, %dma_wait3A_232, %dma_wait3A_233] : memref<2x10000x64xf32, #tpu.memory_space<hbm>> -> memref<1x10000x64xf32, #tpu.memory_space<hbm>>
      %dma_wait3A_235 = tpu.memref_squeeze %dma_wait3A_234 : memref<1x10000x64xf32, #tpu.memory_space<hbm>> -> memref<10000x64xf32, #tpu.memory_space<hbm>>
      %dma_wait3A_236 = arith.constant 0 : i32
      %dma_wait3A_237 = arith.constant 0 : i32
      %dma_wait3A_238 = tpu.memref_slice %dma_wait3A_235[%dma_wait3A_236, %dma_wait3A_237] : memref<10000x64xf32, #tpu.memory_space<hbm>> -> memref<10000x64xf32, #tpu.memory_space<hbm>>
      tpu.wait_indirect_dma semaphore(%arg10 : memref<!tpu.dma_semaphore, #tpu.memory_space<semaphore_mem>>) src(%dma_wait3A_238 : memref<10000x64xf32, #tpu.memory_space<hbm>>) dst(%dma_wait3A_230 : memref<80x64xf32, #tpu.memory_space<vmem>>)
      %add3A_239 = arith.constant 0 : i32
      %add3A_240 = arith.addi %add3A_130, %add3A_239 : i32
      %mul3A_241 = arith.constant 80 : i32
      %mul3A_242 = arith.muli %add3A_240, %mul3A_241 : i32
      %dma_start3A_243 = arith.constant 0 : i32
      %dma_start3A_244 = arith.constant 0 : i32
      %dma_start3A_245 = tpu.memref_slice %arg7[%dma_start3A_243, %dma_start3A_244] : memref<400x64xf32, #tpu.memory_space<vmem>> -> memref<80x64xf32, #tpu.memory_space<vmem>>
      %dma_start3A_246 = tpu.memref_slice %arg6[%mul3A_242] : memref<20000xi32, #tpu.memory_space<vmem>> -> memref<80xi32, #tpu.memory_space<vmem>>
      %dma_start3A_247 = arith.constant 0 : i32
      %dma_start3A_248 = arith.constant 0 : i32
      %dma_start3A_249 = tpu.memref_slice %arg9[%dma_start3A_247, %dma_start3A_248] : memref<10000x64xf32, #tpu.memory_space<vmem_shared>> -> memref<10000x64xf32, #tpu.memory_space<vmem_shared>>
      tpu.enqueue_indirect_dma source(%dma_start3A_245 : memref<80x64xf32, #tpu.memory_space<vmem>>) target(%dma_start3A_249 : memref<10000x64xf32, #tpu.memory_space<vmem_shared>>) offsets(%dma_start3A_246 : memref<80xi32, #tpu.memory_space<vmem>>) semaphore(%arg15 : memref<!tpu.dma_semaphore, #tpu.memory_space<semaphore_mem>>) {add = true}
      %dma_wait3A_250 = arith.constant 80 : i32
      %dma_wait3A_251 = arith.constant 0 : i32
      %dma_wait3A_252 = tpu.memref_slice %arg7[%dma_wait3A_250, %dma_wait3A_251] : memref<400x64xf32, #tpu.memory_space<vmem>> -> memref<80x64xf32, #tpu.memory_space<vmem>>
      %dma_wait3A_253 = tpu.memref_slice %arg5[%mul3A_156] : memref<20000xi32, #tpu.memory_space<vmem>> -> memref<80xi32, #tpu.memory_space<vmem>>
      %dma_wait3A_254 = arith.constant 0 : i32
      %dma_wait3A_255 = arith.constant 0 : i32
      %dma_wait3A_256 = tpu.memref_slice %arg2[%arg0, %dma_wait3A_254, %dma_wait3A_255] : memref<2x10000x64xf32, #tpu.memory_space<hbm>> -> memref<1x10000x64xf32, #tpu.memory_space<hbm>>
      %dma_wait3A_257 = tpu.memref_squeeze %dma_wait3A_256 : memref<1x10000x64xf32, #tpu.memory_space<hbm>> -> memref<10000x64xf32, #tpu.memory_space<hbm>>
      %dma_wait3A_258 = arith.constant 0 : i32
      %dma_wait3A_259 = arith.constant 0 : i32
      %dma_wait3A_260 = tpu.memref_slice %dma_wait3A_257[%dma_wait3A_258, %dma_wait3A_259] : memref<10000x64xf32, #tpu.memory_space<hbm>> -> memref<10000x64xf32, #tpu.memory_space<hbm>>
      tpu.wait_indirect_dma semaphore(%arg11 : memref<!tpu.dma_semaphore, #tpu.memory_space<semaphore_mem>>) src(%dma_wait3A_260 : memref<10000x64xf32, #tpu.memory_space<hbm>>) dst(%dma_wait3A_252 : memref<80x64xf32, #tpu.memory_space<vmem>>)
      %add3A_261 = arith.constant 1 : i32
      %add3A_262 = arith.addi %add3A_130, %add3A_261 : i32
      %mul3A_263 = arith.constant 80 : i32
      %mul3A_264 = arith.muli %add3A_262, %mul3A_263 : i32
      %dma_start3A_265 = arith.constant 80 : i32
      %dma_start3A_266 = arith.constant 0 : i32
      %dma_start3A_267 = tpu.memref_slice %arg7[%dma_start3A_265, %dma_start3A_266] : memref<400x64xf32, #tpu.memory_space<vmem>> -> memref<80x64xf32, #tpu.memory_space<vmem>>
      %dma_start3A_268 = tpu.memref_slice %arg6[%mul3A_264] : memref<20000xi32, #tpu.memory_space<vmem>> -> memref<80xi32, #tpu.memory_space<vmem>>
      %dma_start3A_269 = arith.constant 0 : i32
      %dma_start3A_270 = arith.constant 0 : i32
      %dma_start3A_271 = tpu.memref_slice %arg9[%dma_start3A_269, %dma_start3A_270] : memref<10000x64xf32, #tpu.memory_space<vmem_shared>> -> memref<10000x64xf32, #tpu.memory_space<vmem_shared>>
      tpu.enqueue_indirect_dma source(%dma_start3A_267 : memref<80x64xf32, #tpu.memory_space<vmem>>) target(%dma_start3A_271 : memref<10000x64xf32, #tpu.memory_space<vmem_shared>>) offsets(%dma_start3A_268 : memref<80xi32, #tpu.memory_space<vmem>>) semaphore(%arg16 : memref<!tpu.dma_semaphore, #tpu.memory_space<semaphore_mem>>) {add = true}
      %dma_wait3A_272 = arith.constant 160 : i32
      %dma_wait3A_273 = arith.constant 0 : i32
      %dma_wait3A_274 = tpu.memref_slice %arg7[%dma_wait3A_272, %dma_wait3A_273] : memref<400x64xf32, #tpu.memory_space<vmem>> -> memref<80x64xf32, #tpu.memory_space<vmem>>
      %dma_wait3A_275 = tpu.memref_slice %arg5[%mul3A_176] : memref<20000xi32, #tpu.memory_space<vmem>> -> memref<80xi32, #tpu.memory_space<vmem>>
      %dma_wait3A_276 = arith.constant 0 : i32
      %dma_wait3A_277 = arith.constant 0 : i32
      %dma_wait3A_278 = tpu.memref_slice %arg2[%arg0, %dma_wait3A_276, %dma_wait3A_277] : memref<2x10000x64xf32, #tpu.memory_space<hbm>> -> memref<1x10000x64xf32, #tpu.memory_space<hbm>>
      %dma_wait3A_279 = tpu.memref_squeeze %dma_wait3A_278 : memref<1x10000x64xf32, #tpu.memory_space<hbm>> -> memref<10000x64xf32, #tpu.memory_space<hbm>>
      %dma_wait3A_280 = arith.constant 0 : i32
      %dma_wait3A_281 = arith.constant 0 : i32
      %dma_wait3A_282 = tpu.memref_slice %dma_wait3A_279[%dma_wait3A_280, %dma_wait3A_281] : memref<10000x64xf32, #tpu.memory_space<hbm>> -> memref<10000x64xf32, #tpu.memory_space<hbm>>
      tpu.wait_indirect_dma semaphore(%arg12 : memref<!tpu.dma_semaphore, #tpu.memory_space<semaphore_mem>>) src(%dma_wait3A_282 : memref<10000x64xf32, #tpu.memory_space<hbm>>) dst(%dma_wait3A_274 : memref<80x64xf32, #tpu.memory_space<vmem>>)
      %add3A_283 = arith.constant 2 : i32
      %add3A_284 = arith.addi %add3A_130, %add3A_283 : i32
      %mul3A_285 = arith.constant 80 : i32
      %mul3A_286 = arith.muli %add3A_284, %mul3A_285 : i32
      %dma_start3A_287 = arith.constant 160 : i32
      %dma_start3A_288 = arith.constant 0 : i32
      %dma_start3A_289 = tpu.memref_slice %arg7[%dma_start3A_287, %dma_start3A_288] : memref<400x64xf32, #tpu.memory_space<vmem>> -> memref<80x64xf32, #tpu.memory_space<vmem>>
      %dma_start3A_290 = tpu.memref_slice %arg6[%mul3A_286] : memref<20000xi32, #tpu.memory_space<vmem>> -> memref<80xi32, #tpu.memory_space<vmem>>
      %dma_start3A_291 = arith.constant 0 : i32
      %dma_start3A_292 = arith.constant 0 : i32
      %dma_start3A_293 = tpu.memref_slice %arg9[%dma_start3A_291, %dma_start3A_292] : memref<10000x64xf32, #tpu.memory_space<vmem_shared>> -> memref<10000x64xf32, #tpu.memory_space<vmem_shared>>
      tpu.enqueue_indirect_dma source(%dma_start3A_289 : memref<80x64xf32, #tpu.memory_space<vmem>>) target(%dma_start3A_293 : memref<10000x64xf32, #tpu.memory_space<vmem_shared>>) offsets(%dma_start3A_290 : memref<80xi32, #tpu.memory_space<vmem>>) semaphore(%arg17 : memref<!tpu.dma_semaphore, #tpu.memory_space<semaphore_mem>>) {add = true}
      %dma_wait3A_294 = arith.constant 240 : i32
      %dma_wait3A_295 = arith.constant 0 : i32
      %dma_wait3A_296 = tpu.memref_slice %arg7[%dma_wait3A_294, %dma_wait3A_295] : memref<400x64xf32, #tpu.memory_space<vmem>> -> memref<80x64xf32, #tpu.memory_space<vmem>>
      %dma_wait3A_297 = tpu.memref_slice %arg5[%mul3A_196] : memref<20000xi32, #tpu.memory_space<vmem>> -> memref<80xi32, #tpu.memory_space<vmem>>
      %dma_wait3A_298 = arith.constant 0 : i32
      %dma_wait3A_299 = arith.constant 0 : i32
      %dma_wait3A_300 = tpu.memref_slice %arg2[%arg0, %dma_wait3A_298, %dma_wait3A_299] : memref<2x10000x64xf32, #tpu.memory_space<hbm>> -> memref<1x10000x64xf32, #tpu.memory_space<hbm>>
      %dma_wait3A_301 = tpu.memref_squeeze %dma_wait3A_300 : memref<1x10000x64xf32, #tpu.memory_space<hbm>> -> memref<10000x64xf32, #tpu.memory_space<hbm>>
      %dma_wait3A_302 = arith.constant 0 : i32
      %dma_wait3A_303 = arith.constant 0 : i32
      %dma_wait3A_304 = tpu.memref_slice %dma_wait3A_301[%dma_wait3A_302, %dma_wait3A_303] : memref<10000x64xf32, #tpu.memory_space<hbm>> -> memref<10000x64xf32, #tpu.memory_space<hbm>>
      tpu.wait_indirect_dma semaphore(%arg13 : memref<!tpu.dma_semaphore, #tpu.memory_space<semaphore_mem>>) src(%dma_wait3A_304 : memref<10000x64xf32, #tpu.memory_space<hbm>>) dst(%dma_wait3A_296 : memref<80x64xf32, #tpu.memory_space<vmem>>)
      %add3A_305 = arith.constant 3 : i32
      %add3A_306 = arith.addi %add3A_130, %add3A_305 : i32
      %mul3A_307 = arith.constant 80 : i32
      %mul3A_308 = arith.muli %add3A_306, %mul3A_307 : i32
      %dma_start3A_309 = arith.constant 240 : i32
      %dma_start3A_310 = arith.constant 0 : i32
      %dma_start3A_311 = tpu.memref_slice %arg7[%dma_start3A_309, %dma_start3A_310] : memref<400x64xf32, #tpu.memory_space<vmem>> -> memref<80x64xf32, #tpu.memory_space<vmem>>
      %dma_start3A_312 = tpu.memref_slice %arg6[%mul3A_308] : memref<20000xi32, #tpu.memory_space<vmem>> -> memref<80xi32, #tpu.memory_space<vmem>>
      %dma_start3A_313 = arith.constant 0 : i32
      %dma_start3A_314 = arith.constant 0 : i32
      %dma_start3A_315 = tpu.memref_slice %arg9[%dma_start3A_313, %dma_start3A_314] : memref<10000x64xf32, #tpu.memory_space<vmem_shared>> -> memref<10000x64xf32, #tpu.memory_space<vmem_shared>>
      tpu.enqueue_indirect_dma source(%dma_start3A_311 : memref<80x64xf32, #tpu.memory_space<vmem>>) target(%dma_start3A_315 : memref<10000x64xf32, #tpu.memory_space<vmem_shared>>) offsets(%dma_start3A_312 : memref<80xi32, #tpu.memory_space<vmem>>) semaphore(%arg18 : memref<!tpu.dma_semaphore, #tpu.memory_space<semaphore_mem>>) {add = true}
      %dma_wait3A_316 = arith.constant 320 : i32
      %dma_wait3A_317 = arith.constant 0 : i32
      %dma_wait3A_318 = tpu.memref_slice %arg7[%dma_wait3A_316, %dma_wait3A_317] : memref<400x64xf32, #tpu.memory_space<vmem>> -> memref<80x64xf32, #tpu.memory_space<vmem>>
      %dma_wait3A_319 = tpu.memref_slice %arg5[%mul3A_216] : memref<20000xi32, #tpu.memory_space<vmem>> -> memref<80xi32, #tpu.memory_space<vmem>>
      %dma_wait3A_320 = arith.constant 0 : i32
      %dma_wait3A_321 = arith.constant 0 : i32
      %dma_wait3A_322 = tpu.memref_slice %arg2[%arg0, %dma_wait3A_320, %dma_wait3A_321] : memref<2x10000x64xf32, #tpu.memory_space<hbm>> -> memref<1x10000x64xf32, #tpu.memory_space<hbm>>
      %dma_wait3A_323 = tpu.memref_squeeze %dma_wait3A_322 : memref<1x10000x64xf32, #tpu.memory_space<hbm>> -> memref<10000x64xf32, #tpu.memory_space<hbm>>
      %dma_wait3A_324 = arith.constant 0 : i32
      %dma_wait3A_325 = arith.constant 0 : i32
      %dma_wait3A_326 = tpu.memref_slice %dma_wait3A_323[%dma_wait3A_324, %dma_wait3A_325] : memref<10000x64xf32, #tpu.memory_space<hbm>> -> memref<10000x64xf32, #tpu.memory_space<hbm>>
      tpu.wait_indirect_dma semaphore(%arg14 : memref<!tpu.dma_semaphore, #tpu.memory_space<semaphore_mem>>) src(%dma_wait3A_326 : memref<10000x64xf32, #tpu.memory_space<hbm>>) dst(%dma_wait3A_318 : memref<80x64xf32, #tpu.memory_space<vmem>>)
      %add3A_327 = arith.constant 4 : i32
      %add3A_328 = arith.addi %add3A_130, %add3A_327 : i32
      %mul3A_329 = arith.constant 80 : i32
      %mul3A_330 = arith.muli %add3A_328, %mul3A_329 : i32
      %dma_start3A_331 = arith.constant 320 : i32
      %dma_start3A_332 = arith.constant 0 : i32
      %dma_start3A_333 = tpu.memref_slice %arg7[%dma_start3A_331, %dma_start3A_332] : memref<400x64xf32, #tpu.memory_space<vmem>> -> memref<80x64xf32, #tpu.memory_space<vmem>>
      %dma_start3A_334 = tpu.memref_slice %arg6[%mul3A_330] : memref<20000xi32, #tpu.memory_space<vmem>> -> memref<80xi32, #tpu.memory_space<vmem>>
      %dma_start3A_335 = arith.constant 0 : i32
      %dma_start3A_336 = arith.constant 0 : i32
      %dma_start3A_337 = tpu.memref_slice %arg9[%dma_start3A_335, %dma_start3A_336] : memref<10000x64xf32, #tpu.memory_space<vmem_shared>> -> memref<10000x64xf32, #tpu.memory_space<vmem_shared>>
      tpu.enqueue_indirect_dma source(%dma_start3A_333 : memref<80x64xf32, #tpu.memory_space<vmem>>) target(%dma_start3A_337 : memref<10000x64xf32, #tpu.memory_space<vmem_shared>>) offsets(%dma_start3A_334 : memref<80xi32, #tpu.memory_space<vmem>>) semaphore(%arg19 : memref<!tpu.dma_semaphore, #tpu.memory_space<semaphore_mem>>) {add = true}
    }
    %scan3A_70 = arith.constant 50 : i32
    %dma_wait3A_71 = arith.constant 0 : i32
    %dma_wait3A_72 = arith.constant 0 : i32
    %dma_wait3A_73 = tpu.memref_slice %arg7[%dma_wait3A_71, %dma_wait3A_72] : memref<400x64xf32, #tpu.memory_space<vmem>> -> memref<80x64xf32, #tpu.memory_space<vmem>>
    %dma_wait3A_74 = arith.constant 19600 : i32
    %dma_wait3A_75 = tpu.memref_slice %arg6[%dma_wait3A_74] : memref<20000xi32, #tpu.memory_space<vmem>> -> memref<80xi32, #tpu.memory_space<vmem>>
    %dma_wait3A_76 = arith.constant 0 : i32
    %dma_wait3A_77 = arith.constant 0 : i32
    %dma_wait3A_78 = tpu.memref_slice %arg9[%dma_wait3A_76, %dma_wait3A_77] : memref<10000x64xf32, #tpu.memory_space<vmem_shared>> -> memref<10000x64xf32, #tpu.memory_space<vmem_shared>>
    tpu.wait_indirect_dma semaphore(%arg15 : memref<!tpu.dma_semaphore, #tpu.memory_space<semaphore_mem>>) src(%dma_wait3A_73 : memref<80x64xf32, #tpu.memory_space<vmem>>) dst(%dma_wait3A_78 : memref<10000x64xf32, #tpu.memory_space<vmem_shared>>)
    %dma_wait3A_79 = arith.constant 80 : i32
    %dma_wait3A_80 = arith.constant 0 : i32
    %dma_wait3A_81 = tpu.memref_slice %arg7[%dma_wait3A_79, %dma_wait3A_80] : memref<400x64xf32, #tpu.memory_space<vmem>> -> memref<80x64xf32, #tpu.memory_space<vmem>>
    %dma_wait3A_82 = arith.constant 19680 : i32
    %dma_wait3A_83 = tpu.memref_slice %arg6[%dma_wait3A_82] : memref<20000xi32, #tpu.memory_space<vmem>> -> memref<80xi32, #tpu.memory_space<vmem>>
    %dma_wait3A_84 = arith.constant 0 : i32
    %dma_wait3A_85 = arith.constant 0 : i32
    %dma_wait3A_86 = tpu.memref_slice %arg9[%dma_wait3A_84, %dma_wait3A_85] : memref<10000x64xf32, #tpu.memory_space<vmem_shared>> -> memref<10000x64xf32, #tpu.memory_space<vmem_shared>>
    tpu.wait_indirect_dma semaphore(%arg16 : memref<!tpu.dma_semaphore, #tpu.memory_space<semaphore_mem>>) src(%dma_wait3A_81 : memref<80x64xf32, #tpu.memory_space<vmem>>) dst(%dma_wait3A_86 : memref<10000x64xf32, #tpu.memory_space<vmem_shared>>)
    %dma_wait3A_87 = arith.constant 160 : i32
    %dma_wait3A_88 = arith.constant 0 : i32
    %dma_wait3A_89 = tpu.memref_slice %arg7[%dma_wait3A_87, %dma_wait3A_88] : memref<400x64xf32, #tpu.memory_space<vmem>> -> memref<80x64xf32, #tpu.memory_space<vmem>>
    %dma_wait3A_90 = arith.constant 19760 : i32
    %dma_wait3A_91 = tpu.memref_slice %arg6[%dma_wait3A_90] : memref<20000xi32, #tpu.memory_space<vmem>> -> memref<80xi32, #tpu.memory_space<vmem>>
    %dma_wait3A_92 = arith.constant 0 : i32
    %dma_wait3A_93 = arith.constant 0 : i32
    %dma_wait3A_94 = tpu.memref_slice %arg9[%dma_wait3A_92, %dma_wait3A_93] : memref<10000x64xf32, #tpu.memory_space<vmem_shared>> -> memref<10000x64xf32, #tpu.memory_space<vmem_shared>>
    tpu.wait_indirect_dma semaphore(%arg17 : memref<!tpu.dma_semaphore, #tpu.memory_space<semaphore_mem>>) src(%dma_wait3A_89 : memref<80x64xf32, #tpu.memory_space<vmem>>) dst(%dma_wait3A_94 : memref<10000x64xf32, #tpu.memory_space<vmem_shared>>)
    %dma_wait3A_95 = arith.constant 240 : i32
    %dma_wait3A_96 = arith.constant 0 : i32
    %dma_wait3A_97 = tpu.memref_slice %arg7[%dma_wait3A_95, %dma_wait3A_96] : memref<400x64xf32, #tpu.memory_space<vmem>> -> memref<80x64xf32, #tpu.memory_space<vmem>>
    %dma_wait3A_98 = arith.constant 19840 : i32
    %dma_wait3A_99 = tpu.memref_slice %arg6[%dma_wait3A_98] : memref<20000xi32, #tpu.memory_space<vmem>> -> memref<80xi32, #tpu.memory_space<vmem>>
    %dma_wait3A_100 = arith.constant 0 : i32
    %dma_wait3A_101 = arith.constant 0 : i32
    %dma_wait3A_102 = tpu.memref_slice %arg9[%dma_wait3A_100, %dma_wait3A_101] : memref<10000x64xf32, #tpu.memory_space<vmem_shared>> -> memref<10000x64xf32, #tpu.memory_space<vmem_shared>>
    tpu.wait_indirect_dma semaphore(%arg18 : memref<!tpu.dma_semaphore, #tpu.memory_space<semaphore_mem>>) src(%dma_wait3A_97 : memref<80x64xf32, #tpu.memory_space<vmem>>) dst(%dma_wait3A_102 : memref<10000x64xf32, #tpu.memory_space<vmem_shared>>)
    %dma_wait3A_103 = arith.constant 320 : i32
    %dma_wait3A_104 = arith.constant 0 : i32
    %dma_wait3A_105 = tpu.memref_slice %arg7[%dma_wait3A_103, %dma_wait3A_104] : memref<400x64xf32, #tpu.memory_space<vmem>> -> memref<80x64xf32, #tpu.memory_space<vmem>>
    %dma_wait3A_106 = arith.constant 19920 : i32
    %dma_wait3A_107 = tpu.memref_slice %arg6[%dma_wait3A_106] : memref<20000xi32, #tpu.memory_space<vmem>> -> memref<80xi32, #tpu.memory_space<vmem>>
    %dma_wait3A_108 = arith.constant 0 : i32
    %dma_wait3A_109 = arith.constant 0 : i32
    %dma_wait3A_110 = tpu.memref_slice %arg9[%dma_wait3A_108, %dma_wait3A_109] : memref<10000x64xf32, #tpu.memory_space<vmem_shared>> -> memref<10000x64xf32, #tpu.memory_space<vmem_shared>>
    tpu.wait_indirect_dma semaphore(%arg19 : memref<!tpu.dma_semaphore, #tpu.memory_space<semaphore_mem>>) src(%dma_wait3A_105 : memref<80x64xf32, #tpu.memory_space<vmem>>) dst(%dma_wait3A_110 : memref<10000x64xf32, #tpu.memory_space<vmem_shared>>)
    %barrier3A_111 = arith.constant 0 : index
    tpu.barrier barrier_id(%barrier3A_111)
    %mul3A_112 = arith.constant 625 : i32
    %mul3A_113 = arith.muli %arg1, %mul3A_112 : i32
    %mul3A_114 = arith.constant 625 : i32
    %mul3A_115 = arith.muli %arg1, %mul3A_114 : i32
    %dma_start3A_116 = arith.constant 0 : i32
    %dma_start3A_117 = tpu.memref_slice %arg4[%arg0, %mul3A_115, %dma_start3A_116] : memref<2x10000x64xf32, #tpu.memory_space<hbm>> -> memref<1x625x64xf32, #tpu.memory_space<hbm>>
    %dma_start3A_118 = tpu.memref_squeeze %dma_start3A_117 : memref<1x625x64xf32, #tpu.memory_space<hbm>> -> memref<625x64xf32, #tpu.memory_space<hbm>>
    %dma_start3A_119 = arith.constant 0 : i32
    %dma_start3A_120 = tpu.memref_slice %arg9[%mul3A_113, %dma_start3A_119] : memref<10000x64xf32, #tpu.memory_space<vmem_shared>> -> memref<625x64xf32, #tpu.memory_space<vmem_shared>>
    tpu.enqueue_dma source(%dma_start3A_120 : memref<625x64xf32, #tpu.memory_space<vmem_shared>>) target(%dma_start3A_118 : memref<625x64xf32, #tpu.memory_space<hbm>>) target_semaphore(%arg20 : memref<!tpu.dma_semaphore, #tpu.memory_space<semaphore_mem>>)
    %dma_wait3A_121 = arith.constant 0 : i32
    %dma_wait3A_122 = tpu.memref_slice %arg4[%arg0, %mul3A_115, %dma_wait3A_121] : memref<2x10000x64xf32, #tpu.memory_space<hbm>> -> memref<1x625x64xf32, #tpu.memory_space<hbm>>
    %dma_wait3A_123 = tpu.memref_squeeze %dma_wait3A_122 : memref<1x625x64xf32, #tpu.memory_space<hbm>> -> memref<625x64xf32, #tpu.memory_space<hbm>>
    %dma_wait3A_124 = arith.constant 0 : i32
    %dma_wait3A_125 = tpu.memref_slice %arg9[%mul3A_113, %dma_wait3A_124] : memref<10000x64xf32, #tpu.memory_space<vmem_shared>> -> memref<625x64xf32, #tpu.memory_space<vmem_shared>>
    tpu.wait_dma2 semaphore(%arg20 : memref<!tpu.dma_semaphore, #tpu.memory_space<semaphore_mem>>) src(%dma_wait3A_125 : memref<625x64xf32, #tpu.memory_space<vmem_shared>>) dst(%dma_wait3A_123 : memref<625x64xf32, #tpu.memory_space<hbm>>)
    return
  }
}

module attributes {stable_mosaic.version = 14 : i64} {
  func.func @_ln_mm_body(%arg0: i32, %arg1: memref<2000x128xf32, #tpu.memory_space<vmem>>, %arg2: memref<128x128xf32, #tpu.memory_space<vmem>>, %arg3: memref<1x128xf32, #tpu.memory_space<vmem>>, %arg4: memref<1x128xf32, #tpu.memory_space<vmem>>, %arg5: memref<2000x1xf32, #tpu.memory_space<vmem>>, %arg6: memref<2x2000x64xf32, #tpu.memory_space<vmem>>) attributes {dimension_semantics = [#tpu.dimension_semantics<arbitrary>], iteration_bounds = array<i64: 5>, scalar_prefetch = 0 : i64, scratch_operands = 0 : i64, tpu.core_type = #tpu.core_type<tc>, window_params = [{transform_indices = @transform_0, window_bounds = array<i64: 2000, 128>}, {pipeline_mode = #tpu.pipeline_mode<synchronous>, transform_indices = @transform_1, window_bounds = array<i64: 128, 128>}, {pipeline_mode = #tpu.pipeline_mode<synchronous>, transform_indices = @transform_2, window_bounds = array<i64: 1, 128>}, {pipeline_mode = #tpu.pipeline_mode<synchronous>, transform_indices = @transform_3, window_bounds = array<i64: 1, 128>}, {transform_indices = @transform_4, window_bounds = array<i64: 2000, 1>}, {transform_indices = @transform_5, window_bounds = array<i64: 2, 2000, 64>}]} {
    %get3A = arith.constant 0 : index
    %get3A_0 = arith.constant 0 : index
    %get3A_1 = vector.load %arg1[%get3A, %get3A_0] : memref<2000x128xf32, #tpu.memory_space<vmem>>, vector<2000x128xf32>
    %reduce_sum3A = arith.constant dense<0.000000e+00> : vector<2000xf32>
    %reduce_sum3A_2 = vector.multi_reduction <add>, %get3A_1, %reduce_sum3A [1] : vector<2000x128xf32> to vector<2000xf32>
    %broadcast_in_dim3A = vector.shape_cast %reduce_sum3A_2 : vector<2000xf32> to vector<2000x1xf32>
    %div3A = arith.constant 1.280000e+02 : f32
    %div3A_3 = vector.broadcast %div3A : f32 to vector<2000x1xf32>
    %div3A_4 = arith.divf %broadcast_in_dim3A, %div3A_3 : vector<2000x1xf32>
    %sub3A = vector.broadcast %div3A_4 : vector<2000x1xf32> to vector<2000x128xf32>
    %sub3A_5 = arith.subf %get3A_1, %sub3A : vector<2000x128xf32>
    %mul3A = arith.mulf %sub3A_5, %sub3A_5 : vector<2000x128xf32>
    %reduce_sum3A_6 = arith.constant dense<0.000000e+00> : vector<2000xf32>
    %reduce_sum3A_7 = vector.multi_reduction <add>, %mul3A, %reduce_sum3A_6 [1] : vector<2000x128xf32> to vector<2000xf32>
    %broadcast_in_dim3A_8 = vector.shape_cast %reduce_sum3A_7 : vector<2000xf32> to vector<2000x1xf32>
    %div3A_9 = arith.constant 1.280000e+02 : f32
    %div3A_10 = vector.broadcast %div3A_9 : f32 to vector<2000x1xf32>
    %div3A_11 = arith.divf %broadcast_in_dim3A_8, %div3A_10 : vector<2000x1xf32>
    %add3A = arith.constant 9.99999974E-6 : f32
    %add3A_12 = vector.broadcast %add3A : f32 to vector<2000x1xf32>
    %add3A_13 = arith.addf %div3A_11, %add3A_12 : vector<2000x1xf32>
    %rsqrt3A = math.rsqrt %add3A_13 : vector<2000x1xf32>
    %mul3A_14 = vector.broadcast %rsqrt3A : vector<2000x1xf32> to vector<2000x128xf32>
    %mul3A_15 = arith.mulf %sub3A_5, %mul3A_14 : vector<2000x128xf32>
    %get3A_16 = arith.constant 0 : index
    %get3A_17 = arith.constant 0 : index
    %get3A_18 = vector.load %arg3[%get3A_16, %get3A_17] : memref<1x128xf32, #tpu.memory_space<vmem>>, vector<1x128xf32>
    %mul3A_19 = vector.broadcast %get3A_18 : vector<1x128xf32> to vector<2000x128xf32>
    %mul3A_20 = arith.mulf %mul3A_15, %mul3A_19 : vector<2000x128xf32>
    %get3A_21 = arith.constant 0 : index
    %get3A_22 = arith.constant 0 : index
    %get3A_23 = vector.load %arg4[%get3A_21, %get3A_22] : memref<1x128xf32, #tpu.memory_space<vmem>>, vector<1x128xf32>
    %add3A_24 = vector.broadcast %get3A_23 : vector<1x128xf32> to vector<2000x128xf32>
    %add3A_25 = arith.addf %mul3A_20, %add3A_24 : vector<2000x128xf32>
    %get3A_26 = arith.constant 0 : index
    %get3A_27 = arith.constant 0 : index
    %get3A_28 = vector.load %arg2[%get3A_26, %get3A_27] : memref<128x128xf32, #tpu.memory_space<vmem>>, vector<128x128xf32>
    %dot_general3A = arith.constant dense<0.000000e+00> : vector<2000x128xf32>
    %dot_general3A_29 = tpu.matmul %add3A_25, %get3A_28, %dot_general3A {dimension_numbers = #tpu.dot_dimension_numbers<[1], [0], [0], [1], [0, 0, 1, 1], [], []>, precision = #tpu.contract_precision<fp32>, transpose_lhs_hint = false} : vector<2000x128xf32>, vector<128x128xf32>, vector<2000x128xf32> -> vector<2000x128xf32>
    %get3A_30 = arith.constant 0 : index
    %get3A_31 = arith.constant 0 : index
    %get3A_32 = vector.load %arg5[%get3A_30, %get3A_31] : memref<2000x1xf32, #tpu.memory_space<vmem>>, vector<2000x1xf32>
    %add3A_33 = arith.constant 1.000000e+00 : f32
    %add3A_34 = vector.broadcast %add3A_33 : f32 to vector<2000x1xf32>
    %add3A_35 = arith.addf %get3A_32, %add3A_34 : vector<2000x1xf32>
    %rsqrt3A_36 = math.rsqrt %add3A_35 : vector<2000x1xf32>
    %mul3A_37 = vector.broadcast %rsqrt3A_36 : vector<2000x1xf32> to vector<2000x128xf32>
    %mul3A_38 = arith.mulf %dot_general3A_29, %mul3A_37 : vector<2000x128xf32>
    %slice3A = vector.extract_strided_slice %mul3A_38 {offsets = [0, 0], sizes = [2000, 64], strides = [1, 1]} : vector<2000x128xf32> to vector<2000x64xf32>
    %swap3A = arith.constant 0 : index
    %swap3A_39 = arith.constant 0 : index
    %swap3A_40 = arith.constant 0 : index
    %swap3A_41 = vector.load %arg6[%swap3A, %swap3A_39, %swap3A_40] : memref<2x2000x64xf32, #tpu.memory_space<vmem>>, vector<1x2000x64xf32>
    %swap3A_42 = vector.shape_cast %swap3A_41 : vector<1x2000x64xf32> to vector<2000x64xf32>
    %swap3A_43 = vector.shape_cast %slice3A : vector<2000x64xf32> to vector<1x2000x64xf32>
    tpu.vector_store %arg6[%swap3A, %swap3A_39, %swap3A_40], %swap3A_43 {strides = array<i32>} : memref<2x2000x64xf32, #tpu.memory_space<vmem>>, vector<1x2000x64xf32>,
    %slice3A_44 = vector.extract_strided_slice %mul3A_38 {offsets = [0, 64], sizes = [2000, 64], strides = [1, 1]} : vector<2000x128xf32> to vector<2000x64xf32>
    %swap3A_45 = arith.constant 1 : index
    %swap3A_46 = arith.constant 0 : index
    %swap3A_47 = arith.constant 0 : index
    %swap3A_48 = vector.load %arg6[%swap3A_45, %swap3A_46, %swap3A_47] : memref<2x2000x64xf32, #tpu.memory_space<vmem>>, vector<1x2000x64xf32>
    %swap3A_49 = vector.shape_cast %swap3A_48 : vector<1x2000x64xf32> to vector<2000x64xf32>
    %swap3A_50 = vector.shape_cast %slice3A_44 : vector<2000x64xf32> to vector<1x2000x64xf32>
    tpu.vector_store %arg6[%swap3A_45, %swap3A_46, %swap3A_47], %swap3A_50 {strides = array<i32>} : memref<2x2000x64xf32, #tpu.memory_space<vmem>>, vector<1x2000x64xf32>,
    return
  }
  func.func @transform_0(%arg0: i32) -> (i32, i32) {
    %c0_i32 = arith.constant 0 : i32
    %c0_i32_0 = arith.constant 0 : i32
    return %arg0, %c0_i32 : i32, i32
  }
  func.func @transform_1(%arg0: i32) -> (i32, i32) {
    %c0_i32 = arith.constant 0 : i32
    %c0_i32_0 = arith.constant 0 : i32
    %c0_i32_1 = arith.constant 0 : i32
    return %c0_i32, %c0_i32_0 : i32, i32
  }
  func.func @transform_2(%arg0: i32) -> (i32, i32) {
    %c0_i32 = arith.constant 0 : i32
    %c0_i32_0 = arith.constant 0 : i32
    %c0_i32_1 = arith.constant 0 : i32
    return %c0_i32, %c0_i32_0 : i32, i32
  }
  func.func @transform_3(%arg0: i32) -> (i32, i32) {
    %c0_i32 = arith.constant 0 : i32
    %c0_i32_0 = arith.constant 0 : i32
    %c0_i32_1 = arith.constant 0 : i32
    return %c0_i32, %c0_i32_0 : i32, i32
  }
  func.func @transform_4(%arg0: i32) -> (i32, i32) {
    %c0_i32 = arith.constant 0 : i32
    %c0_i32_0 = arith.constant 0 : i32
    return %arg0, %c0_i32 : i32, i32
  }
  func.func @transform_5(%arg0: i32) -> (i32, i32, i32) {
    %c0_i32 = arith.constant 0 : i32
    %c0_i32_0 = arith.constant 0 : i32
    %c0_i32_1 = arith.constant 0 : i32
    return %c0_i32, %arg0, %c0_i32_0 : i32, i32, i32
  }
}

module attributes {stable_mosaic.version = 14 : i64} {
  func.func @_fin_body(%arg0: i32, %arg1: memref<2x2000x64xf32, #tpu.memory_space<vmem>>, %arg2: memref<2x2000x64xf32, #tpu.memory_space<vmem>>, %arg3: memref<2000x1xf32, #tpu.memory_space<vmem>>, %arg4: memref<2000x128xf32, #tpu.memory_space<vmem>>, %arg5: memref<1x128xf32, #tpu.memory_space<vmem>>, %arg6: memref<2000x128xf32, #tpu.memory_space<vmem>>) attributes {dimension_semantics = [#tpu.dimension_semantics<arbitrary>], iteration_bounds = array<i64: 5>, scalar_prefetch = 0 : i64, scratch_operands = 0 : i64, tpu.core_type = #tpu.core_type<tc>, window_params = [{transform_indices = @transform_0, window_bounds = array<i64: 2, 2000, 64>}, {transform_indices = @transform_1, window_bounds = array<i64: 2, 2000, 64>}, {transform_indices = @transform_2, window_bounds = array<i64: 2000, 1>}, {transform_indices = @transform_3, window_bounds = array<i64: 2000, 128>}, {pipeline_mode = #tpu.pipeline_mode<synchronous>, transform_indices = @transform_4, window_bounds = array<i64: 1, 128>}, {transform_indices = @transform_5, window_bounds = array<i64: 2000, 128>}]} {
    %get3A = arith.constant 0 : index
    %get3A_0 = arith.constant 0 : index
    %get3A_1 = arith.constant 0 : index
    %get3A_2 = vector.load %arg1[%get3A, %get3A_0, %get3A_1] : memref<2x2000x64xf32, #tpu.memory_space<vmem>>, vector<1x2000x64xf32>
    %get3A_3 = vector.shape_cast %get3A_2 : vector<1x2000x64xf32> to vector<2000x64xf32>
    %get3A_4 = arith.constant 0 : index
    %get3A_5 = arith.constant 0 : index
    %get3A_6 = arith.constant 0 : index
    %get3A_7 = vector.load %arg2[%get3A_4, %get3A_5, %get3A_6] : memref<2x2000x64xf32, #tpu.memory_space<vmem>>, vector<1x2000x64xf32>
    %get3A_8 = vector.shape_cast %get3A_7 : vector<1x2000x64xf32> to vector<2000x64xf32>
    %add3A = arith.addf %get3A_3, %get3A_8 : vector<2000x64xf32>
    %get3A_9 = arith.constant 1 : index
    %get3A_10 = arith.constant 0 : index
    %get3A_11 = arith.constant 0 : index
    %get3A_12 = vector.load %arg1[%get3A_9, %get3A_10, %get3A_11] : memref<2x2000x64xf32, #tpu.memory_space<vmem>>, vector<1x2000x64xf32>
    %get3A_13 = vector.shape_cast %get3A_12 : vector<1x2000x64xf32> to vector<2000x64xf32>
    %get3A_14 = arith.constant 1 : index
    %get3A_15 = arith.constant 0 : index
    %get3A_16 = arith.constant 0 : index
    %get3A_17 = vector.load %arg2[%get3A_14, %get3A_15, %get3A_16] : memref<2x2000x64xf32, #tpu.memory_space<vmem>>, vector<1x2000x64xf32>
    %get3A_18 = vector.shape_cast %get3A_17 : vector<1x2000x64xf32> to vector<2000x64xf32>
    %add3A_19 = arith.addf %get3A_13, %get3A_18 : vector<2000x64xf32>
    %concatenate3A = tpu.concatenate %add3A, %add3A_19 in 1 : vector<2000x64xf32>, vector<2000x64xf32> -> vector<2000x128xf32>
    %get3A_20 = arith.constant 0 : index
    %get3A_21 = arith.constant 0 : index
    %get3A_22 = vector.load %arg3[%get3A_20, %get3A_21] : memref<2000x1xf32, #tpu.memory_space<vmem>>, vector<2000x1xf32>
    %add3A_23 = arith.constant 1.000000e+00 : f32
    %add3A_24 = vector.broadcast %add3A_23 : f32 to vector<2000x1xf32>
    %add3A_25 = arith.addf %get3A_22, %add3A_24 : vector<2000x1xf32>
    %rsqrt3A = math.rsqrt %add3A_25 : vector<2000x1xf32>
    %mul3A = vector.broadcast %rsqrt3A : vector<2000x1xf32> to vector<2000x128xf32>
    %mul3A_26 = arith.mulf %concatenate3A, %mul3A : vector<2000x128xf32>
    %get3A_27 = arith.constant 0 : index
    %get3A_28 = arith.constant 0 : index
    %get3A_29 = vector.load %arg5[%get3A_27, %get3A_28] : memref<1x128xf32, #tpu.memory_space<vmem>>, vector<1x128xf32>
    %add3A_30 = vector.broadcast %get3A_29 : vector<1x128xf32> to vector<2000x128xf32>
    %add3A_31 = arith.addf %mul3A_26, %add3A_30 : vector<2000x128xf32>
    %get3A_32 = arith.constant 0 : index
    %get3A_33 = arith.constant 0 : index
    %get3A_34 = vector.load %arg4[%get3A_32, %get3A_33] : memref<2000x128xf32, #tpu.memory_space<vmem>>, vector<2000x128xf32>
    %add3A_35 = arith.addf %add3A_31, %get3A_34 : vector<2000x128xf32>
    %max3A = arith.constant 0.000000e+00 : f32
    %max3A_36 = vector.broadcast %max3A : f32 to vector<2000x128xf32>
    %max3A_37 = arith.maximumf %add3A_35, %max3A_36 : vector<2000x128xf32>
    %swap3A = arith.constant 0 : index
    %swap3A_38 = arith.constant 0 : index
    %swap3A_39 = vector.load %arg6[%swap3A, %swap3A_38] : memref<2000x128xf32, #tpu.memory_space<vmem>>, vector<2000x128xf32>
    tpu.vector_store %arg6[%swap3A, %swap3A_38], %max3A_37 {strides = array<i32>} : memref<2000x128xf32, #tpu.memory_space<vmem>>, vector<2000x128xf32>,
    return
  }
  func.func @transform_0(%arg0: i32) -> (i32, i32, i32) {
    %c0_i32 = arith.constant 0 : i32
    %c0_i32_0 = arith.constant 0 : i32
    %c0_i32_1 = arith.constant 0 : i32
    return %c0_i32, %arg0, %c0_i32_0 : i32, i32, i32
  }
  func.func @transform_1(%arg0: i32) -> (i32, i32, i32) {
    %c0_i32 = arith.constant 0 : i32
    %c0_i32_0 = arith.constant 0 : i32
    %c0_i32_1 = arith.constant 0 : i32
    return %c0_i32, %arg0, %c0_i32_0 : i32, i32, i32
  }
  func.func @transform_2(%arg0: i32) -> (i32, i32) {
    %c0_i32 = arith.constant 0 : i32
    %c0_i32_0 = arith.constant 0 : i32
    return %arg0, %c0_i32 : i32, i32
  }
  func.func @transform_3(%arg0: i32) -> (i32, i32) {
    %c0_i32 = arith.constant 0 : i32
    %c0_i32_0 = arith.constant 0 : i32
    return %arg0, %c0_i32 : i32, i32
  }
  func.func @transform_4(%arg0: i32) -> (i32, i32) {
    %c0_i32 = arith.constant 0 : i32
    %c0_i32_0 = arith.constant 0 : i32
    %c0_i32_1 = arith.constant 0 : i32
    return %c0_i32, %c0_i32_0 : i32, i32
  }
  func.func @transform_5(%arg0: i32) -> (i32, i32) {
    %c0_i32 = arith.constant 0 : i32
    %c0_i32_0 = arith.constant 0 : i32
    return %arg0, %c0_i32 : i32, i32
  }
}

</mosaic_0001>

<sc_bundles>
// kernel: kernel.6.cloned.1.call-start
scs
__scs_entry_jumppad:
0x0: {  	(pc) =	sbr.rel $0x88, $3  }
0x1: {  	(tag) =	ssettag $0x0;
	lr =	simm.s32 $0x1  }
0x2: {  	[smem:$0x3F9A] =	sst lr;
	_ =	strace $0xD0000000  }
0x3: {  	_ = 	snop  }
0x4: {  	_ = 	snop  }
0x5: {  	_ = 	snop  }
0x6: {  	_ = 	snop  }
0x7: {  	_ = 	snop  }
__scs_overlays_trampoline_lowered:
0x8: {  	[smem:$0x3FA9] =	sst s0  }
0x9: {  	[smem:$0x3FAA] =	sst s1  }
0xa: {  	[smem:$0x3FAB] =	sst s2  }
0xb: {  	[smem:$0x3FAC] =	sst s3  }
0xc: {  	[smem:$0x3FAD] =	sst s4  }
0xd: {  	[smem:$0x3FAE] =	sst s5  }
0xe: {  	[smem:$0x3FAF] =	sst s6  }
0xf: {  	[smem:$0x3FB0] =	sst s7  }
0x10: {  	[smem:$0x3FB1] =	sst s8  }
0x11: {  	[smem:$0x3FB2] =	sst s9;
	s0 =	simm.s32 @!p0 $0x0  }
0x12: {  	s1 =	sld [smem:$0x3F98];
	s0 =	simm.s32 @p0 $0x1  }
0x13: {  	[smem:$0x3FB3] =	sst s0;
	s0 =	simm.s32 @!p1 $0x0  }
0x14: {  	s2 =	sld [smem:$0x3F97];
	s0 =	simm.s32 @p1 $0x1  }
0x15: {  	[smem:$0x3FB4] =	sst s0;
	s0 =	simm.s32 @!p2 $0x0  }
0x16: {  	s3 =	sld [smem:$0x3FDB];
	s0 =	simm.s32 @p2 $0x1  }
0x17: {  	s4 =	simm.s32 $0x1BF5;
	[smem:$0x3FB6] =	sst s0  }
0x18: {  	s0 =	sld [smem:$0x3F99];
	_ =	swait.ge [sflag:s4], $0x0  }
0x19: {  	s7 =	sld [smem:$0x3F9A]  }
0x1a: {  	s8 =	sadd.s32 $0xFFFFE003, lr  }
0x1b: {  	s9 =	sadd.s32 $0xFFFFFEF7, lr;
	s5 =	simm.s32 $0xFFFFFFFF;
	p2 =	slt.u32 s8, $0xFFFFF086  }
0x1c: {  	p1 =	slt.u32 s9, $0xF7A;
	s5 =	simm.s32 @!p2 $0x0  }
0x1d: {  	s5 =	simm.s32 @p1 $0x1;
	p0 =	seq.s32 s7, s2  }
0x1e: {  	s7 =	smul.u32 @!p0 $0xF7A, s2;
	p2 =	seq.s32 @!p0 s5, $0x0  }
0x1f: {  	s9 =	smul.u32 $0xF7A, s1;
	s8 =	simm.s32 @!p0 $0x1BF5;
	p2 =	por !p2, p0  }
0x20: {  	[sflag:s8] =	ssyncset.s32 @!p0 $0xFFFFF086;
	s6 =	sadd.s32 @!p0 s3, s7;
	s7 =	simm.s32 @!p0 $0x108  }
0x21: {  	s3 =	sadd.s32 s3, s9;
	s6 =	sadd.s32 @!p0 $0x88, s6;
	s7 =	simm.s32 @p2 $0x1082  }
0x22: {  	[simem:s7], [sflag:s8] =	dma.local @!p0 [hbm:s6], $0xF7A  }
0x23: {  	s9 =	sor.u32 $0xD0000000, s2;
	s6 =	simm.s32 $0x108;
	_ =	swait.ge @!p0 [sflag:s8], $0x0  }
0x24: {  	s3 =	sadd.s32 $0x88, s3;
	s6 =	simm.s32 @!p1 $0x1082;
	[sflag:s4] =	ssyncset.s32 $0xFFFFF086  }
0x25: {  	[simem:s6], [sflag:s4] =	dma.local [hbm:s3], $0xF7A  }
0x26: {  	[smem:$0x3F9A] =	sst s1;
	(tag) =	ssettag s2;
	_ =	strace s9  }
0x27: {  	s1 =	sld [smem:$0x3FAA]  }
0x28: {  	s2 =	sld [smem:$0x3FAB]  }
0x29: {  	s4 =	sld [smem:$0x3FAD]  }
0x2a: {  	p0 =	seq.s32 s5, $0x0;
	s5 =	sld [smem:$0x3FAE]  }
0x2b: {  	s6 =	sld [smem:$0x3FAF]  }
0x2c: {  	s7 =	sld [smem:$0x3FB0]  }
0x2d: {  	s3 =	simm.s32 $0x108;
	s8 =	sld [smem:$0x3FB1]  }
0x2e: {  	s3 =	simm.s32 @!p0 $0x1082;
	s9 =	sld [smem:$0x3FB2]  }
0x2f: {  	lr =	sadd.s32 s0, s3;
	s0 =	sld [smem:$0x3FA9]  }
0x30: {  	s3 =	sld [smem:$0x3FAC]  }
0x31: {  	[smem:$0x3FB5] =	sst s10  }
0x32: {  	s10 =	sld [smem:$0x3FB3];
	_ =	sdelay $0x3  }
0x33: {  	p0 =	seq.s32 s10, $0x1;
	s10 =	sld [smem:$0x3FB5];
	_ =	sdelay $0x3  }
0x34: {  	[smem:$0x3FB5] =	sst s10  }
0x35: {  	s10 =	sld [smem:$0x3FB4];
	_ =	sdelay $0x3  }
0x36: {  	p1 =	seq.s32 s10, $0x1;
	s10 =	sld [smem:$0x3FB5];
	_ =	sdelay $0x3  }
0x37: {  	[smem:$0x3FB5] =	sst s10  }
0x38: {  	s10 =	sld [smem:$0x3FB6]  }
0x39: {  	_ = 	snop;
	(pc) =	sbr.ind lr, $3  }
0x3a: {  	_ = 	snop  }
0x3b: {  	_ = 	snop  }
0x3c: {  	p2 =	seq.s32 s10, $0x1;
	s10 =	sld [smem:$0x3FB5]  }
0x3d: {  	_ =	shalt  }
0x3e: {  	_ =	shalt  }
0x3f: {  	_ =	shalt  }
0x40: {  	_ =	shalt  }
0x41: {  	_ =	shalt  }
0x42: {  	_ =	shalt  }
0x43: {  	_ =	shalt  }
0x44: {  	_ =	shalt  }
0x45: {  	_ =	shalt  }
0x46: {  	_ =	shalt  }
0x47: {  	_ =	shalt  }
0x48: {  	_ =	shalt  }
0x49: {  	_ =	shalt  }
0x4a: {  	_ =	shalt  }
0x4b: {  	_ =	shalt  }
0x4c: {  	_ =	shalt  }
0x4d: {  	_ =	shalt  }
0x4e: {  	_ =	shalt  }
0x4f: {  	_ =	shalt  }
0x50: {  	_ =	shalt  }
0x51: {  	_ =	shalt  }
0x52: {  	_ =	shalt  }
0x53: {  	_ =	shalt  }
0x54: {  	_ =	shalt  }
0x55: {  	_ =	shalt  }
0x56: {  	_ =	shalt  }
0x57: {  	_ =	shalt  }
0x58: {  	_ =	shalt  }
0x59: {  	_ =	shalt  }
0x5a: {  	_ =	shalt  }
0x5b: {  	_ =	shalt  }
0x5c: {  	_ =	shalt  }
0x5d: {  	_ =	shalt  }
0x5e: {  	_ =	shalt  }
0x5f: {  	_ =	shalt  }
0x60: {  	_ =	shalt  }
0x61: {  	_ =	shalt  }
0x62: {  	_ =	shalt  }
0x63: {  	_ =	shalt  }
0x64: {  	_ =	shalt  }
0x65: {  	_ =	shalt  }
0x66: {  	_ =	shalt  }
0x67: {  	_ =	shalt  }
0x68: {  	_ =	shalt  }
0x69: {  	_ =	shalt  }
0x6a: {  	_ =	shalt  }
0x6b: {  	_ =	shalt  }
0x6c: {  	_ =	shalt  }
0x6d: {  	_ =	shalt  }
0x6e: {  	_ =	shalt  }
0x6f: {  	_ =	shalt  }
0x70: {  	_ =	shalt  }
0x71: {  	_ =	shalt  }
0x72: {  	_ =	shalt  }
0x73: {  	_ =	shalt  }
0x74: {  	_ =	shalt  }
0x75: {  	_ =	shalt  }
0x76: {  	_ =	shalt  }
0x77: {  	_ =	shalt  }
0x78: {  	_ =	shalt  }
0x79: {  	_ =	shalt  }
0x7a: {  	_ =	shalt  }
0x7b: {  	_ =	shalt  }
0x7c: {  	_ =	shalt  }
0x7d: {  	_ =	shalt  }
0x7e: {  	_ =	shalt  }
0x7f: {  	_ =	shalt  }
0x80: {  	_ =	shalt  }
0x81: {  	_ =	shalt  }
0x82: {  	_ =	shalt  }
0x83: {  	_ =	shalt  }
0x84: {  	_ =	shalt  }
0x85: {  	_ =	shalt  }
0x86: {  	_ =	shalt  }
0x87: {  	_ =	shalt  }
.Lfunc_end0:
.L_simem_size_0:
called_computation_lowered:
.L_overlay_start_0:
0x88: {  	s2 =	sld [smem:$0x3FD9]  }
0x89: {  	s3 =	sld [smem:$0x3FFE];
	_ =	sdelay $0x1  }
0x8a: {  	s1 =	srdreg.scid  }
0x8b: {  	s0 =	sand.u32 $0x1, s1  }
0x8c: {  	s14 =	sshll.u32 s0, $0xA;
	s2 =	sadd.s32 s3, s2  }
0x8d: {  	s2 =	sadd.s32 s2, s14  }
0x8e: {  	[smem:$0x3FC1] =	sst s2  }
0x8f: {  	_ = 	snop  }
0x90: {  	s2 =	sld [smem:$0x3FD0];
	_ =	sdelay $0x2  }
0x91: {  	s15 =	simm.s32 $0xA;
	s4 =	simm.s32 $0x10  }
0x92: {  	[smem:s4], [sflag:s15] =	dma.local [hbm:s2], $0x1  }
0x93: {  	_ =	swait.eq [sflag:s15], $0x1  }
0x94: {  	[sflag:s15] =	ssyncset.done $0x0  }
0x95: {  	[sflag:s15] =	ssyncadd.s32 $0xFFFFFFFF  }
0x96: {  	s16 =	sld [smem:$0x11];
	(tm) =	ssettm $0x1  }
0x97: {  	s17 =	sld [smem:$0x3FFB];
	_ =	sdelay $0x3  }
0x98: {  	_ =	strace s17  }
0x99: {  	s3 =	sld [smem:$0x3FFC];
	_ =	sdelay $0x3  }
0x9a: {  	_ =	strace s3  }
0x9b: {  	s3 =	sld [smem:$0x3FFD];
	_ =	sdelay $0x3  }
0x9c: {  	_ =	strace s3  }
0x9d: {  	_ =	strace $0x8FFFFFFF  }
0x9e: {  	s18 =	sld [smem:$0x3FDB];
	_ =	sdelay $0x1  }
0x9f: {  	s19 =	simm.s32 $_scs_section_size  }
0xa0: {  	s5 =	simm.s32 $_size__tile_overlayer_lowered;
	s6 =	simm.s32 $_tile_overlayer_lowered  }
0xa1: {  	s22 =	simm.s32 $0x1BFF;
	s21 =	sshll.u32 s6, $0x1;
	s3 =	sadd.s32 s19, s18  }
0xa2: {  	s7 =	simm.s32 $0x0;
	s20 =	sshll.u32 s5, $0x1;
	s5 =	sadd.s32 s21, s3  }
0xa3: {  	[timem:s7], [sflag:s22] =	dma.local [hbm:s5], s20  }
0xa4: {  	_ =	swait.ge [sflag:s22], s20  }
0xa5: {  	s4 =	ssub.s32 $0x0, s20;
	[sflag:s22] =	ssyncset.done $0x0  }
0xa6: {  	[sflag:s22] =	ssyncadd.s32 s4;
	_ =	sdelay $0x1  }
0xa7: {  	s23 =	simm.s32 $0x1B8B  }
0xa8: {  	_ =	swait.ge [sflag:s23], $0x1  }
0xa9: {  	[sflag:s23] =	ssyncset.done $0x0  }
0xaa: {  	s25 =	simm.s32 $0x1B8E;
	s24 =	sld [smem:$0x3FFE];
	[sflag:s23] =	ssyncadd.s32 $0xFFFFFFFF  }
0xab: {  	s26 =	simm.s32 $execute0_lowered;
	[smem:$0x3FD2] =	sst s25  }
0xac: {  	s5 =	sshll.u32 s26, $0x1;
	_ =	strace $0x80000046;
	[dreg:$0x1] =	wrdreg $0xFFFFFFFF  }
0xad: {  	s28 =	simm.s32 $_size_execute0_lowered;
	s3 =	sadd.s32 s3, s5;
	[dreg:$0x0] =	wrdreg $0x0  }
0xae: {  	s5 =	sshll.u32 s28, $0x1;
	[dreg:$0x2] =	wrdreg s3  }
0xaf: {  	[dreg:$0x3] =	wrdreg s5  }
0xb0: {  	[dreg:$0x4] =	wrdreg $0xC0  }
0xb1: {  	_ =	task [dreg:s7], $0x5FFFF  }
0xb2: {  	[dreg:$0x1] =	wrdreg $0xFFFFFFFF  }
0xb3: {  	[dreg:$0x0] =	wrdreg $0x60  }
0xb4: {  	[dreg:$0x2] =	wrdreg s24  }
0xb5: {  	[dreg:$0x3] =	wrdreg s16  }
0xb6: {  	[dreg:$0x4] =	wrdreg $0x78A00  }
0xb7: {  	[dreg:$0x5] =	wrdreg $0x9  }
0xb8: {  	_ =	task.clear_ibuf [dreg:s7], $0x6FFFF;
	_ =	strace $0x90000046  }
0xb9: {  	s29 =	simm.s32 $0x9;
	_ =	strace $0x80000048  }
0xba: {  	_ =	swait.ge [sflag:s29], $0x1  }
0xbb: {  	[sflag:s29] =	ssyncadd.s32 $0xFFFFFFFF  }
0xbc: {  	_ =	strace $0x90000048  }
0xbd: {  	_ =	sfence  }
0xbe: {  	s30 =	sld [smem:$0x0];
	_ =	sdelay $0x2  }
0xbf: {  	s31 =	sshll.u32 s1, $0xD;
	s1 =	sshrl.u32 s1, $0x2  }
0xc0: {  	s3 =	sand.u32 $0x4000, s31;
	s1 =	sadd.s32 s1, s30  }
0xc1: {  	s0 =	sor.u32 s3, s0;
	s1 =	sshll.u32 s1, $0x11  }
0xc2: {  	s0 =	sor.u32 s1, s0  }
0xc3: {  	s0 =	sadd.s32 $0x8F2B, s0  }
0xc4: {  	[sflag:s0] =	ssyncadd.remote.s32 $0x1  }
0xc5: {  	_ =	sfence.sel $0xFFFF  }
0xc6: {  	[dreg:$0x0] =	wrdreg $0xFFFFFFFF;
	(pc) =	sbr.abs _section_cstart, $3  }
0xc7: {  	[dreg:$0x1] =	wrdreg $0xFFFFFFFF  }
0xc8: {  	_ =	task.clear_ibuf [dreg:s7], $0x2FFFF;
	_ =	strace $0x9FFFFFFF  }
0xc9: {  	(tm) =	ssettm $0x7FFFFFFF  }
tec
execute0_lowered:
.L_overlay_start_1:
0x0: {  	(tag) =	ssettag $0x1  }
0x1: {  	s4 =	rddreg [dreg:$0x0]  }
0x2: {  	s1 =	rddreg [dreg:$0x1]  }
0x3: {  	s2 =	rddreg [dreg:$0x2];
	s10 =	stileid.u32  }
0x4: {  	s5 =	srdreg.scid;
	s0 =	rddreg [dreg:$0x3];
	s3 =	simm.s32 $0x0  }
0x5: {  	s9 =	simm.s32 $0x7620;
	s12 =	simm.s32 $0x0;
	s6 =	smul.u32 $0x4E20, s10  }
0x6: {  	s7 =	sand.u32 $0x1, s5;
	[smem:$0x7FF] =	sst s3;
	p0 =	sne.s32 s10, $0x0  }
0x7: {  	s5 =	ssub.s32 $0x2, s7;
	_ =	strace $0x80000047;
	s31 =	sor.u32 s7, s10  }
.Ltmp0:
0x8: {  	p1 =	sne.s32 s7, $0x0;
	s7 =	simm.s32 $0x4E20;
	(pc) =	sbr.rel .LBB2_1-.Ltmp0, $4  }
0x9: {  	s6 =	sshrl.u32 s6, $0x3;
	s8 =	sshrl.u32 s5, $0x1;
	p2 =	sne.s32 s31, $0x0  }
0xa: {  	s4 =	sadd.s32 s4, s6;
	s5 =	ssub.s32 s5, s8;
	s6 =	simm.s32 $0x1  }
0xb: {  	s8 =	simm.s32 $0x280;
	s10 =	sshll.u32 @!p2 s10, $0x6;
	s11 =	sshrl.u32 @!p2 s2, $0x3  }
0xc: {  	v0 =	vimm.f32 $0.0e+00;
	v1 =	vlaneseq.u32;
	v2 =	vimm.f32 $1.000000000e+00;
	s4 =	sadd.s32 $0xC240, s4;
	s5 =	smax.u32 s5, $0x1;
	s10 =	sor.u32 @!p2 $0x1C01, s10  }
.LBB2_8:
0xd: {  	v3 =	vld [tilespmem:s14+$0x0];
	_ =	sdelay $0x7  }
0xe: {  	[tilespmem:v3+s7+$0x0] =	vst.idx.add.f32.msk $0xffff, v2  }
0xf: {  	[spmem:s2] =	stream.indirect.scatter.add.f32 [tilespmem:s7], [sflag:$0x1], $0x10, s9, s8, $0xb8;
	[tilespmem:$0x7B20] =	vst v63  }
0x10: {  	_ =	swait.ge [sflag:s6], $0x2800  }
0x11: {  	[sflag:s6] =	ssyncset.done $0x0  }
0x12: {  	[sflag:s6] =	ssyncadd.s32 $0xFFFFD800  }
.LBB2_9:
0x13: {  	s12 =	sadd.s32 $0x1, s12  }
0x14: {  	p3 =	sne.s32 s12, s5  }
.Ltmp1:
0x15: {  	[bflag:$0x0] =	sbarrier.arrive $0xFFFF;
	s13 =	simm.s32 @!p2 $0x1;
	(pc) =	sbr.rel @!p3 .LBB2_10-.Ltmp1, $4  }
0x16: {  	[hbm:s1], [sflag:s10] =	dma.local @!p2 [spmem:s11], $0x4E2  }
0x17: {  	_ =	swait.ge @!p2 [sflag:s13], $0x4E2  }
0x18: {  	[sflag:s13] =	ssyncset.done @!p2 $0x0  }
0x19: {  	[sflag:s13] =	ssyncadd.s32 @!p2 $0xFFFFFB1E  }
.LBB2_1:
0x1a: {  	[tilespmem:s3], [sflag:$0x1] =	stream.linear.gather [hbm4b:s4+s3], $0x4E20, $0x38;
	[tilespmem:$0x7B20] =	vst v63  }
0x1b: {  	_ =	swait.ge [sflag:s6], $0x4E20  }
0x1c: {  	[sflag:s6] =	ssyncset.done $0x0  }
0x1d: {  	s13 =	simm.s32 $0x0;
	[sflag:s6] =	ssyncadd.s32 $0xFFFFB1E0  }
.LBB2_2:
0x1e: {  	p3 =	sne.s32 s13, $0x9FC0  }
.Ltmp2:
0x1f: {  	_ = 	snop;
	(pc) =	sbr.rel @p3 .LBB2_2-.Ltmp2, $3  }
0x20: {  	_ =	sdelay $0x1  }
0x21: {  	s14 =	sshra.s32 s13, $0x2  }
0x22: {  	s13 =	sadd.s32 $0x40, s13;
	[tilespmem:s14+$0x4E20] =	vst v0  }
0x23: {  	s14 =	simm.s32 $0x0  }
0x24: {  	s13 =	simm.s32 $0x7620;
	v3 =	vor.u32 s14, v1  }
0x25: {  	s14 =	simm.s32 $0x10;
	[tilespmem:s13+$0x0] =	vst v3  }
.LBB2_4:
0x26: {  	p3 =	sne.s32 s14, $0x270  }
.Ltmp3:
0x27: {  	_ = 	snop;
	(pc) =	sbr.rel @p3 .LBB2_4-.Ltmp3, $3  }
0x28: {  	_ =	sdelay $0x1  }
0x29: {  	v3 =	vor.u32 s14, v1;
	s14 =	sadd.s32 $0x10, s14;
	s13 =	sadd.s32 $0x10, s13  }
0x2a: {  	[tilespmem:s13+$0x0] =	vst v3  }
0x2b: {  	s13 =	simm.s32 @!p0 $0x4E20  }
0x2c: {  	[spmem:s2] =	stream.linear.scatter @!p0 [tilespmem:s13], [sflag:$0x1], $0x2800, $0x38;
	[tilespmem:$0x7B20] =	vst v63  }
0x2d: {  	s13 =	simm.s32 @!p0 $0x1  }
.Ltmp4:
0x2e: {  	_ =	swait.ge @!p0 [sflag:s13], $0x2800;
	(pc) =	sbr.rel @p1 .LBB2_9-.Ltmp4, $4  }
0x2f: {  	[sflag:s13] =	ssyncset.done @!p0 $0x0  }
0x30: {  	[sflag:s13] =	ssyncadd.s32 @!p0 $0xFFFFD800  }
0x31: {  	[bflag:$0x0] =	sbarrier.arrive $0xFFFF  }
0x32: {  	s13 =	simm.s32 $0x0  }
0x33: {  	s14 =	sshra.s32 s13, $0x2;
	s13 =	sadd.s32 $0x40, s13  }
.LBB2_7:
0x34: {  	p3 =	sne.s32 s13, $0x13840;
	v3 =	vld [tilespmem:s14+$0x0];
	_ =	sdelay $0x3  }
.Ltmp5:
0x35: {  	(pc) =	sbr.rel @p3 .LBB2_7-.Ltmp5, $2  }
0x36: {  	_ =	sdelay $0x2  }
0x37: {  	s14 =	sshra.s32 s13, $0x2;
	s13 =	sadd.s32 $0x40, s13;
	[tilespmem:v3+s7+$0x0] =	vst.idx.add.f32.msk $0xffff, v2  }
.Ltmp6:
0x38: {  	_ = 	snop;
	(pc) =	sbr.rel .LBB2_8-.Ltmp6, $1  }
0x39: {  	_ =	sdelay $0x3  }
.LBB2_10:
0x3a: {  	_ =	sfence.sel $0x180000  }
0x3b: {  	[bflag:$0x0] =	sbarrier.arrive $0xFFFF  }
0x3c: {  	_ =	strace $0x90000047  }
0x3d: {  	s0 =	sadd.s32 @!p0 $0x100000, s0;
	[bflag:$0x2] =	sbarrier.arrive $0xFFFF  }
0x3e: {  	[sflag:s0] =	ssyncadd.tile.s32 @!p0 $0x1;
	_ =	shalt  }
.Lfunc_end2:
_tile_overlayer_lowered:
.L_overlay_start_2:
0x3f: {  	(tag) =	ssettag $0x2  }
0x40: {  	s0 =	rddreg [dreg:$0x0];
	s2 =	stileid.u32  }
0x41: {  	s1 =	rddreg [dreg:$0x1];
	p0 =	sne.s32 s2, $0x0  }
0x42: {  	s3 =	rddreg [dreg:$0x2];
	[bflag:$0x3] =	sbarrier.arrive $0xFFFF;
	s2 =	simm.s32 @!p0 $0x1C01  }
0x43: {  	[timem:s3], [sflag:s2] =	dma.local @!p0 [hbm:s0], s1  }
0x44: {  	s0 =	simm.s32 @!p0 $0x1  }
0x45: {  	_ =	swait.ge @!p0 [sflag:s0], s1  }
0x46: {  	s1 =	ssub.s32 @!p0 $0x0, s1;
	[sflag:s0] =	ssyncset.done @!p0 $0x0  }
0x47: {  	[sflag:s0] =	ssyncadd.s32 @!p0 s1  }
0x48: {  	[bflag:$0x3] =	sbarrier.arrive $0xFFFF  }
0x49: {  	_ =	shalt  }

// kernel: kernel.9.cloned.1.call-start
scs
__scs_entry_jumppad:
0x0: {  	(pc) =	sbr.rel $0x88, $3  }
0x1: {  	(tag) =	ssettag $0x0;
	lr =	simm.s32 $0x1  }
0x2: {  	[smem:$0x3F9A] =	sst lr;
	_ =	strace $0xD0000000  }
0x3: {  	_ = 	snop  }
0x4: {  	_ = 	snop  }
0x5: {  	_ = 	snop  }
0x6: {  	_ = 	snop  }
0x7: {  	_ = 	snop  }
__scs_overlays_trampoline_lowered:
0x8: {  	[smem:$0x3FA9] =	sst s0  }
0x9: {  	[smem:$0x3FAA] =	sst s1  }
0xa: {  	[smem:$0x3FAB] =	sst s2  }
0xb: {  	[smem:$0x3FAC] =	sst s3  }
0xc: {  	[smem:$0x3FAD] =	sst s4  }
0xd: {  	[smem:$0x3FAE] =	sst s5  }
0xe: {  	[smem:$0x3FAF] =	sst s6  }
0xf: {  	[smem:$0x3FB0] =	sst s7  }
0x10: {  	[smem:$0x3FB1] =	sst s8  }
0x11: {  	[smem:$0x3FB2] =	sst s9;
	s0 =	simm.s32 @!p0 $0x0  }
0x12: {  	s1 =	sld [smem:$0x3F98];
	s0 =	simm.s32 @p0 $0x1  }
0x13: {  	[smem:$0x3FB3] =	sst s0;
	s0 =	simm.s32 @!p1 $0x0  }
0x14: {  	s2 =	sld [smem:$0x3F97];
	s0 =	simm.s32 @p1 $0x1  }
0x15: {  	[smem:$0x3FB4] =	sst s0;
	s0 =	simm.s32 @!p2 $0x0  }
0x16: {  	s3 =	sld [smem:$0x3FDB];
	s0 =	simm.s32 @p2 $0x1  }
0x17: {  	s4 =	simm.s32 $0x1BF5;
	[smem:$0x3FB6] =	sst s0  }
0x18: {  	s0 =	sld [smem:$0x3F99];
	_ =	swait.ge [sflag:s4], $0x0  }
0x19: {  	s7 =	sld [smem:$0x3F9A]  }
0x1a: {  	s8 =	sadd.s32 $0xFFFFE003, lr  }
0x1b: {  	s9 =	sadd.s32 $0xFFFFFEF7, lr;
	s5 =	simm.s32 $0xFFFFFFFF;
	p2 =	slt.u32 s8, $0xFFFFF086  }
0x1c: {  	p1 =	slt.u32 s9, $0xF7A;
	s5 =	simm.s32 @!p2 $0x0  }
0x1d: {  	s5 =	simm.s32 @p1 $0x1;
	p0 =	seq.s32 s7, s2  }
0x1e: {  	s7 =	smul.u32 @!p0 $0xF7A, s2;
	p2 =	seq.s32 @!p0 s5, $0x0  }
0x1f: {  	s9 =	smul.u32 $0xF7A, s1;
	s8 =	simm.s32 @!p0 $0x1BF5;
	p2 =	por !p2, p0  }
0x20: {  	[sflag:s8] =	ssyncset.s32 @!p0 $0xFFFFF086;
	s6 =	sadd.s32 @!p0 s3, s7;
	s7 =	simm.s32 @!p0 $0x108  }
0x21: {  	s3 =	sadd.s32 s3, s9;
	s6 =	sadd.s32 @!p0 $0x88, s6;
	s7 =	simm.s32 @p2 $0x1082  }
0x22: {  	[simem:s7], [sflag:s8] =	dma.local @!p0 [hbm:s6], $0xF7A  }
0x23: {  	s9 =	sor.u32 $0xD0000000, s2;
	s6 =	simm.s32 $0x108;
	_ =	swait.ge @!p0 [sflag:s8], $0x0  }
0x24: {  	s3 =	sadd.s32 $0x88, s3;
	s6 =	simm.s32 @!p1 $0x1082;
	[sflag:s4] =	ssyncset.s32 $0xFFFFF086  }
0x25: {  	[simem:s6], [sflag:s4] =	dma.local [hbm:s3], $0xF7A  }
0x26: {  	[smem:$0x3F9A] =	sst s1;
	(tag) =	ssettag s2;
	_ =	strace s9  }
0x27: {  	s1 =	sld [smem:$0x3FAA]  }
0x28: {  	s2 =	sld [smem:$0x3FAB]  }
0x29: {  	s4 =	sld [smem:$0x3FAD]  }
0x2a: {  	p0 =	seq.s32 s5, $0x0;
	s5 =	sld [smem:$0x3FAE]  }
0x2b: {  	s6 =	sld [smem:$0x3FAF]  }
0x2c: {  	s7 =	sld [smem:$0x3FB0]  }
0x2d: {  	s3 =	simm.s32 $0x108;
	s8 =	sld [smem:$0x3FB1]  }
0x2e: {  	s3 =	simm.s32 @!p0 $0x1082;
	s9 =	sld [smem:$0x3FB2]  }
0x2f: {  	lr =	sadd.s32 s0, s3;
	s0 =	sld [smem:$0x3FA9]  }
0x30: {  	s3 =	sld [smem:$0x3FAC]  }
0x31: {  	[smem:$0x3FB5] =	sst s10  }
0x32: {  	s10 =	sld [smem:$0x3FB3];
	_ =	sdelay $0x3  }
0x33: {  	p0 =	seq.s32 s10, $0x1;
	s10 =	sld [smem:$0x3FB5];
	_ =	sdelay $0x3  }
0x34: {  	[smem:$0x3FB5] =	sst s10  }
0x35: {  	s10 =	sld [smem:$0x3FB4];
	_ =	sdelay $0x3  }
0x36: {  	p1 =	seq.s32 s10, $0x1;
	s10 =	sld [smem:$0x3FB5];
	_ =	sdelay $0x3  }
0x37: {  	[smem:$0x3FB5] =	sst s10  }
0x38: {  	s10 =	sld [smem:$0x3FB6]  }
0x39: {  	_ = 	snop;
	(pc) =	sbr.ind lr, $3  }
0x3a: {  	_ = 	snop  }
0x3b: {  	_ = 	snop  }
0x3c: {  	p2 =	seq.s32 s10, $0x1;
	s10 =	sld [smem:$0x3FB5]  }
0x3d: {  	_ =	shalt  }
0x3e: {  	_ =	shalt  }
0x3f: {  	_ =	shalt  }
0x40: {  	_ =	shalt  }
0x41: {  	_ =	shalt  }
0x42: {  	_ =	shalt  }
0x43: {  	_ =	shalt  }
0x44: {  	_ =	shalt  }
0x45: {  	_ =	shalt  }
0x46: {  	_ =	shalt  }
0x47: {  	_ =	shalt  }
0x48: {  	_ =	shalt  }
0x49: {  	_ =	shalt  }
0x4a: {  	_ =	shalt  }
0x4b: {  	_ =	shalt  }
0x4c: {  	_ =	shalt  }
0x4d: {  	_ =	shalt  }
0x4e: {  	_ =	shalt  }
0x4f: {  	_ =	shalt  }
0x50: {  	_ =	shalt  }
0x51: {  	_ =	shalt  }
0x52: {  	_ =	shalt  }
0x53: {  	_ =	shalt  }
0x54: {  	_ =	shalt  }
0x55: {  	_ =	shalt  }
0x56: {  	_ =	shalt  }
0x57: {  	_ =	shalt  }
0x58: {  	_ =	shalt  }
0x59: {  	_ =	shalt  }
0x5a: {  	_ =	shalt  }
0x5b: {  	_ =	shalt  }
0x5c: {  	_ =	shalt  }
0x5d: {  	_ =	shalt  }
0x5e: {  	_ =	shalt  }
0x5f: {  	_ =	shalt  }
0x60: {  	_ =	shalt  }
0x61: {  	_ =	shalt  }
0x62: {  	_ =	shalt  }
0x63: {  	_ =	shalt  }
0x64: {  	_ =	shalt  }
0x65: {  	_ =	shalt  }
0x66: {  	_ =	shalt  }
0x67: {  	_ =	shalt  }
0x68: {  	_ =	shalt  }
0x69: {  	_ =	shalt  }
0x6a: {  	_ =	shalt  }
0x6b: {  	_ =	shalt  }
0x6c: {  	_ =	shalt  }
0x6d: {  	_ =	shalt  }
0x6e: {  	_ =	shalt  }
0x6f: {  	_ =	shalt  }
0x70: {  	_ =	shalt  }
0x71: {  	_ =	shalt  }
0x72: {  	_ =	shalt  }
0x73: {  	_ =	shalt  }
0x74: {  	_ =	shalt  }
0x75: {  	_ =	shalt  }
0x76: {  	_ =	shalt  }
0x77: {  	_ =	shalt  }
0x78: {  	_ =	shalt  }
0x79: {  	_ =	shalt  }
0x7a: {  	_ =	shalt  }
0x7b: {  	_ =	shalt  }
0x7c: {  	_ =	shalt  }
0x7d: {  	_ =	shalt  }
0x7e: {  	_ =	shalt  }
0x7f: {  	_ =	shalt  }
0x80: {  	_ =	shalt  }
0x81: {  	_ =	shalt  }
0x82: {  	_ =	shalt  }
0x83: {  	_ =	shalt  }
0x84: {  	_ =	shalt  }
0x85: {  	_ =	shalt  }
0x86: {  	_ =	shalt  }
0x87: {  	_ =	shalt  }
.Lfunc_end0:
.L_simem_size_0:
called_computation.1_lowered:
.L_overlay_start_0:
0x88: {  	s2 =	sld [smem:$0x3FD9]  }
0x89: {  	s3 =	sld [smem:$0x3FFE];
	_ =	sdelay $0x1  }
0x8a: {  	s1 =	srdreg.scid  }
0x8b: {  	s0 =	sand.u32 $0x1, s1  }
0x8c: {  	s14 =	sshll.u32 s0, $0xA;
	s2 =	sadd.s32 s3, s2  }
0x8d: {  	s2 =	sadd.s32 s2, s14  }
0x8e: {  	[smem:$0x3FC1] =	sst s2  }
0x8f: {  	_ = 	snop  }
0x90: {  	s2 =	sld [smem:$0x3FD0];
	_ =	sdelay $0x2  }
0x91: {  	s15 =	simm.s32 $0xA;
	s4 =	simm.s32 $0x10  }
0x92: {  	[smem:s4], [sflag:s15] =	dma.local [hbm:s2], $0x1  }
0x93: {  	_ =	swait.eq [sflag:s15], $0x1  }
0x94: {  	[sflag:s15] =	ssyncset.done $0x0  }
0x95: {  	[sflag:s15] =	ssyncadd.s32 $0xFFFFFFFF  }
0x96: {  	s16 =	sld [smem:$0x11];
	(tm) =	ssettm $0x1  }
0x97: {  	s17 =	sld [smem:$0x3FFB];
	_ =	sdelay $0x3  }
0x98: {  	_ =	strace s17  }
0x99: {  	s3 =	sld [smem:$0x3FFC];
	_ =	sdelay $0x3  }
0x9a: {  	_ =	strace s3  }
0x9b: {  	s3 =	sld [smem:$0x3FFD];
	_ =	sdelay $0x3  }
0x9c: {  	_ =	strace s3  }
0x9d: {  	_ =	strace $0x8FFFFFFF  }
0x9e: {  	s18 =	sld [smem:$0x3FDB];
	_ =	sdelay $0x1  }
0x9f: {  	s19 =	simm.s32 $_scs_section_size  }
0xa0: {  	s5 =	simm.s32 $_size__tile_overlayer_lowered;
	s6 =	simm.s32 $_tile_overlayer_lowered  }
0xa1: {  	s22 =	simm.s32 $0x1BFF;
	s21 =	sshll.u32 s6, $0x1;
	s3 =	sadd.s32 s19, s18  }
0xa2: {  	s7 =	simm.s32 $0x0;
	s20 =	sshll.u32 s5, $0x1;
	s5 =	sadd.s32 s21, s3  }
0xa3: {  	[timem:s7], [sflag:s22] =	dma.local [hbm:s5], s20  }
0xa4: {  	_ =	swait.ge [sflag:s22], s20  }
0xa5: {  	s4 =	ssub.s32 $0x0, s20;
	[sflag:s22] =	ssyncset.done $0x0  }
0xa6: {  	[sflag:s22] =	ssyncadd.s32 s4;
	_ =	sdelay $0x1  }
0xa7: {  	s23 =	simm.s32 $0x1B8B  }
0xa8: {  	_ =	swait.ge [sflag:s23], $0x1  }
0xa9: {  	[sflag:s23] =	ssyncset.done $0x0  }
0xaa: {  	s25 =	simm.s32 $0x1B8E;
	s24 =	sld [smem:$0x3FFE];
	[sflag:s23] =	ssyncadd.s32 $0xFFFFFFFF  }
0xab: {  	s26 =	simm.s32 $execute0_lowered;
	[smem:$0x3FD2] =	sst s25  }
0xac: {  	s5 =	sshll.u32 s26, $0x1;
	_ =	strace $0x80000049;
	[dreg:$0x1] =	wrdreg $0xFFFFFFFF  }
0xad: {  	s28 =	simm.s32 $_size_execute0_lowered;
	s3 =	sadd.s32 s3, s5;
	[dreg:$0x0] =	wrdreg $0x0  }
0xae: {  	s5 =	sshll.u32 s28, $0x1;
	[dreg:$0x2] =	wrdreg s3  }
0xaf: {  	[dreg:$0x3] =	wrdreg s5  }
0xb0: {  	[dreg:$0x4] =	wrdreg $0xC0  }
0xb1: {  	_ =	task [dreg:s7], $0x5FFFF  }
0xb2: {  	[dreg:$0x1] =	wrdreg $0xFFFFFFFF  }
0xb3: {  	[dreg:$0x0] =	wrdreg $0x60  }
0xb4: {  	[dreg:$0x2] =	wrdreg s16  }
0xb5: {  	[dreg:$0x3] =	wrdreg s24  }
0xb6: {  	[dreg:$0x4] =	wrdreg $0x11F800  }
0xb7: {  	[dreg:$0x5] =	wrdreg $0x9  }
0xb8: {  	_ =	task.clear_ibuf [dreg:s7], $0x6FFFF;
	_ =	strace $0x90000049  }
0xb9: {  	s29 =	simm.s32 $0x9;
	_ =	strace $0x8000004B  }
0xba: {  	_ =	swait.ge [sflag:s29], $0x1  }
0xbb: {  	[sflag:s29] =	ssyncadd.s32 $0xFFFFFFFF  }
0xbc: {  	_ =	strace $0x9000004B  }
0xbd: {  	_ =	sfence  }
0xbe: {  	s30 =	sld [smem:$0x0];
	_ =	sdelay $0x2  }
0xbf: {  	s31 =	sshll.u32 s1, $0xD;
	s1 =	sshrl.u32 s1, $0x2  }
0xc0: {  	s3 =	sand.u32 $0x4000, s31;
	s1 =	sadd.s32 s1, s30  }
0xc1: {  	s0 =	sor.u32 s3, s0;
	s1 =	sshll.u32 s1, $0x11  }
0xc2: {  	s0 =	sor.u32 s1, s0  }
0xc3: {  	s0 =	sadd.s32 $0x8F2B, s0  }
0xc4: {  	[sflag:s0] =	ssyncadd.remote.s32 $0x1  }
0xc5: {  	_ =	sfence.sel $0xFFFF  }
0xc6: {  	[dreg:$0x0] =	wrdreg $0xFFFFFFFF;
	(pc) =	sbr.abs _section_cstart, $3  }
0xc7: {  	[dreg:$0x1] =	wrdreg $0xFFFFFFFF  }
0xc8: {  	_ =	task.clear_ibuf [dreg:s7], $0x2FFFF;
	_ =	strace $0x9FFFFFFF  }
0xc9: {  	(tm) =	ssettm $0x7FFFFFFF  }
tec
execute0_lowered:
.L_overlay_start_1:
0x0: {  	(tag) =	ssettag $0x1  }
0x1: {  	s0 =	rddreg [dreg:$0x0]  }
0x2: {  	s1 =	rddreg [dreg:$0x1];
	s8 =	stileid.u32  }
0x3: {  	s4 =	srdreg.scid;
	s2 =	rddreg [dreg:$0x2]  }
0x4: {  	s7 =	simm.s32 $0x0;
	s14 =	simm.s32 $0xC;
	s15 =	simm.s32 $0x4E20  }
0x5: {  	s16 =	simm.s32 $0x10040;
	s17 =	simm.s32 $0xB;
	s18 =	simm.s32 $0x50  }
0x6: {  	s19 =	simm.s32 $0x9C40;
	s28 =	simm.s32 $0x1;
	s3 =	smul.u32 $0x4E20, s8  }
0x7: {  	s29 =	simm.s32 $0x2;
	s31 =	simm.s32 $0x3;
	s5 =	smul.u32 $0x9C40, s8  }
0x8: {  	s4 =	sand.u32 $0x1, s4;
	[smem:$0x7FF] =	sst s7;
	s8 =	smul.u32 $0x27100, s8  }
0x9: {  	s30 =	simm.s32 $0x6;
	s6 =	smul.u32 $0x9C400, s4;
	_ =	strace $0x8000004A  }
0xa: {  	s20 =	ssub.s32 $0x2, s4;
	s4 =	smul.u32 $0x13880, s4;
	s3 =	sshrl.u32 s3, $0x3  }
0xb: {  	s21 =	sshrl.u32 s20, $0x1;
	s23 =	sshrl.u32 s8, $0x2;
	s6 =	sadd.s32 s5, s6  }
0xc: {  	s3 =	sadd.s32 s3, s1;
	s7 =	ssub.s32 s20, s21;
	s24 =	sadd.s32 s23, s2  }
0xd: {  	s11 =	sadd.s32 s0, s4;
	s20 =	simm.s32 $0xB040;
	s0 =	simm.s32 $0x4  }
0xe: {  	s23 =	simm.s32 $0x5;
	s21 =	simm.s32 $0x8;
	s4 =	simm.s32 $0x0  }
0xf: {  	s6 =	sshrl.u32 s6, $0x3;
	s22 =	sadd.s32 $0x2600, s3;
	s3 =	sadd.s32 $0xC240, s3  }
0x10: {  	s25 =	sadd.s32 $0x1F40, s24;
	s26 =	sadd.s32 $0x3E80, s24;
	[dreg:$0x4] =	wrdreg s22  }
0x11: {  	s9 =	sadd.s32 $0x5DC0, s24;
	s10 =	sadd.s32 $0x7D00, s24;
	[dreg:$0x5] =	wrdreg s3  }
0x12: {  	s13 =	smax.u32 s7, $0x1;
	s24 =	simm.s32 $0xD840;
	[dreg:$0x6] =	wrdreg s25  }
0x13: {  	s1 =	sadd.s32 s6, s1;
	s6 =	sadd.s32 s5, s2;
	[dreg:$0x7] =	wrdreg s26  }
0x14: {  	s22 =	simm.s32 $0xC440;
	s26 =	simm.s32 $0xEC40;
	s25 =	simm.s32 $0x9  }
0x15: {  	v0 =	vimm.f32 $0.0e+00;
	s3 =	simm.s32 $0xA;
	s12 =	sadd.s32 $0x64200, s1;
	s1 =	simm.s32 $0x7  }
.LBB2_1:
0x16: {  	s5 =	simm.s32 $0x0;
	s7 =	rddreg [dreg:$0x4]  }
0x17: {  	[tilespmem:s5], [sflag:$0xC] =	stream.linear.gather [hbm4b:s7+s5], $0x4E20, $0x38;
	[tilespmem:$0x1BBC0] =	vst v63  }
0x18: {  	_ =	swait.ge [sflag:s14], $0x4E20  }
0x19: {  	[sflag:s14] =	ssyncset.done $0x0  }
0x1a: {  	s8 =	rddreg [dreg:$0x5];
	[sflag:s14] =	ssyncadd.s32 $0xFFFFB1E0  }
0x1b: {  	[tilespmem:s15], [sflag:$0xC] =	stream.linear.gather [hbm4b:s8+s5], $0x4E20, $0x38;
	[tilespmem:$0x1BBC0] =	vst v63  }
0x1c: {  	_ =	swait.ge [sflag:s14], $0x4E20  }
0x1d: {  	[sflag:s14] =	ssyncset.done $0x0  }
0x1e: {  	s7 =	simm.s32 $0x100;
	s5 =	simm.s32 $0x0;
	[sflag:s14] =	ssyncadd.s32 $0xFFFFB1E0  }
.LBB2_2:
0x1f: {  	p0 =	sne.s32 s7, $0x7C00;
	[tilespmem:s5+$0x10070] =	vst v0;
	s8 =	smov.u32 s7;
	s7 =	sadd.s32 $0x100, s7  }
.Ltmp0:
0x20: {  	[tilespmem:s5+$0x10060] =	vst v0;
	(pc) =	sbr.rel @p0 .LBB2_2-.Ltmp0, $3  }
0x21: {  	[tilespmem:s5+$0x10040] =	vst v0  }
0x22: {  	[tilespmem:s5+$0x10050] =	vst v0;
	_ =	sdelay $0x1  }
0x23: {  	s5 =	sshra.s32 s8, $0x2  }
0x24: {  	[tilespmem:s5+$0x10070] =	vst v0  }
0x25: {  	[tilespmem:s5+$0x10060] =	vst v0  }
0x26: {  	[tilespmem:s5+$0x10040] =	vst v0  }
0x27: {  	[tilespmem:s5+$0x10050] =	vst v0  }
0x28: {  	[spmem:s6] =	stream.linear.scatter [tilespmem:s16], [sflag:$0xB], $0x1F40, $0x38;
	[tilespmem:$0x1BBC0] =	vst v63  }
0x29: {  	s8 =	rddreg [dreg:$0x6]  }
0x2a: {  	[spmem:s8] =	stream.linear.scatter [tilespmem:s16], [sflag:$0xB], $0x1F40, $0x38;
	[tilespmem:$0x1BBC0] =	vst v63  }
0x2b: {  	s7 =	rddreg [dreg:$0x7]  }
0x2c: {  	[spmem:s7] =	stream.linear.scatter [tilespmem:s16], [sflag:$0xB], $0x1F40, $0x38;
	[tilespmem:$0x1BBC0] =	vst v63  }
0x2d: {  	_ = 	snop  }
0x2e: {  	[spmem:s9] =	stream.linear.scatter [tilespmem:s16], [sflag:$0xB], $0x1F40, $0x38;
	[tilespmem:$0x1BBC0] =	vst v63  }
0x2f: {  	_ = 	snop  }
0x30: {  	[spmem:s10] =	stream.linear.scatter [tilespmem:s16], [sflag:$0xB], $0x1F40, $0x38;
	[tilespmem:$0x1BBC0] =	vst v63  }
0x31: {  	_ =	swait.ge [sflag:s17], $0x1F40  }
0x32: {  	[sflag:s17] =	ssyncset.done $0x0  }
0x33: {  	[sflag:s17] =	ssyncadd.s32 $0xFFFFE0C0  }
0x34: {  	_ =	swait.ge [sflag:s17], $0x1F40  }
0x35: {  	[sflag:s17] =	ssyncset.done $0x0  }
0x36: {  	[sflag:s17] =	ssyncadd.s32 $0xFFFFE0C0  }
0x37: {  	_ =	swait.ge [sflag:s17], $0x1F40  }
0x38: {  	[sflag:s17] =	ssyncset.done $0x0  }
0x39: {  	[sflag:s17] =	ssyncadd.s32 $0xFFFFE0C0  }
0x3a: {  	_ =	swait.ge [sflag:s17], $0x1F40  }
0x3b: {  	[sflag:s17] =	ssyncset.done $0x0  }
0x3c: {  	[sflag:s17] =	ssyncadd.s32 $0xFFFFE0C0  }
0x3d: {  	_ =	swait.ge [sflag:s17], $0x1F40  }
0x3e: {  	[sflag:s17] =	ssyncset.done $0x0  }
0x3f: {  	[sflag:s17] =	ssyncadd.s32 $0xFFFFE0C0  }
0x40: {  	s8 =	simm.s32 $0x0;
	[bflag:$0x0] =	sbarrier.arrive $0xFFFF  }
0x41: {  	[tilespmem:s19], [sflag:$0x1] =	stream.indirect.gather [hbm4b:s11+s18], $0x40, s8, s18, $0xb8;
	[tilespmem:$0x1BBC0] =	vst v63  }
0x42: {  	_ = 	snop  }
0x43: {  	[tilespmem:s20], [sflag:$0x2] =	stream.indirect.gather [hbm4b:s11+s18], $0x40, s18, s18, $0xb8;
	[tilespmem:$0x1BBC0] =	vst v63  }
0x44: {  	s7 =	simm.s32 $0xA0  }
0x45: {  	[tilespmem:s22], [sflag:$0x3] =	stream.indirect.gather [hbm4b:s11+s18], $0x40, s7, s18, $0xb8;
	[tilespmem:$0x1BBC0] =	vst v63  }
0x46: {  	s8 =	simm.s32 $0xF0  }
0x47: {  	[tilespmem:s24], [sflag:$0x4] =	stream.indirect.gather [hbm4b:s11+s18], $0x40, s8, s18, $0xb8;
	[tilespmem:$0x1BBC0] =	vst v63  }
0x48: {  	s7 =	simm.s32 $0x140  }
0x49: {  	[tilespmem:s26], [sflag:$0x5] =	stream.indirect.gather [hbm4b:s11+s18], $0x40, s7, s18, $0xb8;
	[tilespmem:$0x1BBC0] =	vst v63  }
0x4a: {  	_ =	swait.ge [sflag:s28], $0x1400  }
0x4b: {  	[sflag:s28] =	ssyncset.done $0x0  }
0x4c: {  	[sflag:s28] =	ssyncadd.s32 $0xFFFFEC00  }
0x4d: {  	[spmem:s2] =	stream.indirect.scatter.add.f32 [tilespmem:s19], [sflag:$0x6], $0x40, s15, s18, $0xb8;
	[tilespmem:$0x1BBC0] =	vst v63  }
0x4e: {  	_ =	swait.ge [sflag:s29], $0x1400  }
0x4f: {  	[sflag:s29] =	ssyncset.done $0x0  }
0x50: {  	s8 =	simm.s32 $0x4E70;
	[sflag:s29] =	ssyncadd.s32 $0xFFFFEC00  }
0x51: {  	[spmem:s2] =	stream.indirect.scatter.add.f32 [tilespmem:s20], [sflag:$0x7], $0x40, s8, s18, $0xb8;
	[tilespmem:$0x1BBC0] =	vst v63  }
0x52: {  	_ =	swait.ge [sflag:s31], $0x1400  }
0x53: {  	[sflag:s31] =	ssyncset.done $0x0  }
0x54: {  	s7 =	simm.s32 $0x4EC0;
	[sflag:s31] =	ssyncadd.s32 $0xFFFFEC00  }
0x55: {  	[spmem:s2] =	stream.indirect.scatter.add.f32 [tilespmem:s22], [sflag:$0x8], $0x40, s7, s18, $0xb8;
	[tilespmem:$0x1BBC0] =	vst v63  }
0x56: {  	_ =	swait.ge [sflag:s0], $0x1400  }
0x57: {  	[sflag:s0] =	ssyncset.done $0x0  }
0x58: {  	s8 =	simm.s32 $0x4F10;
	[sflag:s0] =	ssyncadd.s32 $0xFFFFEC00  }
0x59: {  	[spmem:s2] =	stream.indirect.scatter.add.f32 [tilespmem:s24], [sflag:$0x9], $0x40, s8, s18, $0xb8;
	[tilespmem:$0x1BBC0] =	vst v63  }
0x5a: {  	_ =	swait.ge [sflag:s23], $0x1400  }
0x5b: {  	[sflag:s23] =	ssyncset.done $0x0  }
0x5c: {  	s7 =	simm.s32 $0x4F60;
	[sflag:s23] =	ssyncadd.s32 $0xFFFFEC00  }
0x5d: {  	[spmem:s2] =	stream.indirect.scatter.add.f32 [tilespmem:s26], [sflag:$0xA], $0x40, s7, s18, $0xb8;
	[tilespmem:$0x1BBC0] =	vst v63  }
0x5e: {  	_ =	swait.ge [sflag:s30], $0x1400  }
0x5f: {  	[sflag:s30] =	ssyncset.done $0x0  }
0x60: {  	s8 =	simm.s32 $0x190;
	[sflag:s30] =	ssyncadd.s32 $0xFFFFEC00  }
0x61: {  	[tilespmem:s19], [sflag:$0x1] =	stream.indirect.gather [hbm4b:s11+s18], $0x40, s8, s18, $0xb8;
	[tilespmem:$0x1BBC0] =	vst v63  }
0x62: {  	_ =	swait.ge [sflag:s1], $0x1400  }
0x63: {  	[sflag:s1] =	ssyncset.done $0x0  }
0x64: {  	s7 =	simm.s32 $0x1E0;
	[sflag:s1] =	ssyncadd.s32 $0xFFFFEC00  }
0x65: {  	[tilespmem:s20], [sflag:$0x2] =	stream.indirect.gather [hbm4b:s11+s18], $0x40, s7, s18, $0xb8;
	[tilespmem:$0x1BBC0] =	vst v63  }
0x66: {  	_ =	swait.ge [sflag:s21], $0x1400  }
0x67: {  	[sflag:s21] =	ssyncset.done $0x0  }
0x68: {  	s8 =	simm.s32 $0x230;
	[sflag:s21] =	ssyncadd.s32 $0xFFFFEC00  }
0x69: {  	[tilespmem:s22], [sflag:$0x3] =	stream.indirect.gather [hbm4b:s11+s18], $0x40, s8, s18, $0xb8;
	[tilespmem:$0x1BBC0] =	vst v63  }
0x6a: {  	_ =	swait.ge [sflag:s25], $0x1400  }
0x6b: {  	[sflag:s25] =	ssyncset.done $0x0  }
0x6c: {  	s7 =	simm.s32 $0x280;
	[sflag:s25] =	ssyncadd.s32 $0xFFFFEC00  }
0x6d: {  	[tilespmem:s24], [sflag:$0x4] =	stream.indirect.gather [hbm4b:s11+s18], $0x40, s7, s18, $0xb8;
	[tilespmem:$0x1BBC0] =	vst v63  }
0x6e: {  	_ =	swait.ge [sflag:s3], $0x1400  }
0x6f: {  	[sflag:s3] =	ssyncset.done $0x0  }
0x70: {  	s8 =	simm.s32 $0x2D0;
	[sflag:s3] =	ssyncadd.s32 $0xFFFFEC00  }
0x71: {  	[tilespmem:s26], [sflag:$0x5] =	stream.indirect.gather [hbm4b:s11+s18], $0x40, s8, s18, $0xb8;
	[tilespmem:$0x1BBC0] =	vst v63  }
0x72: {  	_ =	swait.ge [sflag:s28], $0x1400  }
0x73: {  	[sflag:s28] =	ssyncset.done $0x0  }
0x74: {  	s7 =	simm.s32 $0x4FB0;
	[sflag:s28] =	ssyncadd.s32 $0xFFFFEC00  }
0x75: {  	[spmem:s2] =	stream.indirect.scatter.add.f32 [tilespmem:s19], [sflag:$0x6], $0x40, s7, s18, $0xb8;
	[tilespmem:$0x1BBC0] =	vst v63  }
0x76: {  	_ =	swait.ge [sflag:s29], $0x1400  }
0x77: {  	[sflag:s29] =	ssyncset.done $0x0  }
0x78: {  	s8 =	simm.s32 $0x5000;
	[sflag:s29] =	ssyncadd.s32 $0xFFFFEC00  }
0x79: {  	[spmem:s2] =	stream.indirect.scatter.add.f32 [tilespmem:s20], [sflag:$0x7], $0x40, s8, s18, $0xb8;
	[tilespmem:$0x1BBC0] =	vst v63  }
0x7a: {  	_ =	swait.ge [sflag:s31], $0x1400  }
0x7b: {  	[sflag:s31] =	ssyncset.done $0x0  }
0x7c: {  	s7 =	simm.s32 $0x5050;
	[sflag:s31] =	ssyncadd.s32 $0xFFFFEC00  }
0x7d: {  	[spmem:s2] =	stream.indirect.scatter.add.f32 [tilespmem:s22], [sflag:$0x8], $0x40, s7, s18, $0xb8;
	[tilespmem:$0x1BBC0] =	vst v63  }
0x7e: {  	_ =	swait.ge [sflag:s0], $0x1400  }
0x7f: {  	[sflag:s0] =	ssyncset.done $0x0  }
0x80: {  	s8 =	simm.s32 $0x50A0;
	[sflag:s0] =	ssyncadd.s32 $0xFFFFEC00  }
0x81: {  	[spmem:s2] =	stream.indirect.scatter.add.f32 [tilespmem:s24], [sflag:$0x9], $0x40, s8, s18, $0xb8;
	[tilespmem:$0x1BBC0] =	vst v63  }
0x82: {  	_ =	swait.ge [sflag:s23], $0x1400  }
0x83: {  	[sflag:s23] =	ssyncset.done $0x0  }
0x84: {  	s5 =	simm.s32 $0x640;
	s7 =	simm.s32 $0x50F0;
	[sflag:s23] =	ssyncadd.s32 $0xFFFFEC00  }
.LBB2_4:
0x85: {  	[spmem:s2] =	stream.indirect.scatter.add.f32 [tilespmem:s26], [sflag:$0xA], $0x40, s7, s18, $0xb8;
	[tilespmem:$0x1BBC0] =	vst v63  }
0x86: {  	s7 =	smov.u32 s5  }
0x87: {  	p0 =	sne.s32 s5, $0x12C00;
	s5 =	sadd.s32 $0x640, s5;
	_ =	swait.ge [sflag:s30], $0x1400  }
0x88: {  	s7 =	sshra.s32 s7, $0x2;
	[sflag:s30] =	ssyncset.done $0x0  }
0x89: {  	s8 =	sadd.s32 $0x190, s7;
	[sflag:s30] =	ssyncadd.s32 $0xFFFFEC00  }
0x8a: {  	[tilespmem:s19], [sflag:$0x1] =	stream.indirect.gather [hbm4b:s11+s18], $0x40, s8, s18, $0xb8;
	[tilespmem:$0x1BBC0] =	vst v63  }
0x8b: {  	_ =	swait.ge [sflag:s1], $0x1400  }
0x8c: {  	[sflag:s1] =	ssyncset.done $0x0  }
0x8d: {  	s8 =	sadd.s32 $0x1E0, s7;
	[sflag:s1] =	ssyncadd.s32 $0xFFFFEC00  }
0x8e: {  	[tilespmem:s20], [sflag:$0x2] =	stream.indirect.gather [hbm4b:s11+s18], $0x40, s8, s18, $0xb8;
	[tilespmem:$0x1BBC0] =	vst v63  }
0x8f: {  	_ =	swait.ge [sflag:s21], $0x1400  }
0x90: {  	[sflag:s21] =	ssyncset.done $0x0  }
0x91: {  	s8 =	sadd.s32 $0x230, s7;
	[sflag:s21] =	ssyncadd.s32 $0xFFFFEC00  }
0x92: {  	[tilespmem:s22], [sflag:$0x3] =	stream.indirect.gather [hbm4b:s11+s18], $0x40, s8, s18, $0xb8;
	[tilespmem:$0x1BBC0] =	vst v63  }
0x93: {  	_ =	swait.ge [sflag:s25], $0x1400  }
0x94: {  	[sflag:s25] =	ssyncset.done $0x0  }
0x95: {  	s8 =	sadd.s32 $0x280, s7;
	[sflag:s25] =	ssyncadd.s32 $0xFFFFEC00  }
0x96: {  	[tilespmem:s24], [sflag:$0x4] =	stream.indirect.gather [hbm4b:s11+s18], $0x40, s8, s18, $0xb8;
	[tilespmem:$0x1BBC0] =	vst v63  }
0x97: {  	_ =	swait.ge [sflag:s3], $0x1400  }
0x98: {  	[sflag:s3] =	ssyncset.done $0x0  }
0x99: {  	s8 =	sadd.s32 $0x2D0, s7;
	[sflag:s3] =	ssyncadd.s32 $0xFFFFEC00  }
0x9a: {  	[tilespmem:s26], [sflag:$0x5] =	stream.indirect.gather [hbm4b:s11+s18], $0x40, s8, s18, $0xb8;
	[tilespmem:$0x1BBC0] =	vst v63  }
0x9b: {  	_ =	swait.ge [sflag:s28], $0x1400  }
0x9c: {  	[sflag:s28] =	ssyncset.done $0x0  }
0x9d: {  	s8 =	sadd.s32 $0x4FB0, s7;
	[sflag:s28] =	ssyncadd.s32 $0xFFFFEC00  }
0x9e: {  	[spmem:s2] =	stream.indirect.scatter.add.f32 [tilespmem:s19], [sflag:$0x6], $0x40, s8, s18, $0xb8;
	[tilespmem:$0x1BBC0] =	vst v63  }
0x9f: {  	_ =	swait.ge [sflag:s29], $0x1400  }
0xa0: {  	[sflag:s29] =	ssyncset.done $0x0  }
0xa1: {  	s8 =	sadd.s32 $0x5000, s7;
	[sflag:s29] =	ssyncadd.s32 $0xFFFFEC00  }
0xa2: {  	[spmem:s2] =	stream.indirect.scatter.add.f32 [tilespmem:s20], [sflag:$0x7], $0x40, s8, s18, $0xb8;
	[tilespmem:$0x1BBC0] =	vst v63  }
0xa3: {  	_ =	swait.ge [sflag:s31], $0x1400  }
0xa4: {  	[sflag:s31] =	ssyncset.done $0x0  }
0xa5: {  	s8 =	sadd.s32 $0x5050, s7;
	[sflag:s31] =	ssyncadd.s32 $0xFFFFEC00  }
0xa6: {  	[spmem:s2] =	stream.indirect.scatter.add.f32 [tilespmem:s22], [sflag:$0x8], $0x40, s8, s18, $0xb8;
	[tilespmem:$0x1BBC0] =	vst v63  }
0xa7: {  	_ =	swait.ge [sflag:s0], $0x1400  }
0xa8: {  	[sflag:s0] =	ssyncset.done $0x0  }
.Ltmp1:
0xa9: {  	s8 =	sadd.s32 $0x50A0, s7;
	[sflag:s0] =	ssyncadd.s32 $0xFFFFEC00;
	(pc) =	sbr.rel @p0 .LBB2_4-.Ltmp1, $4  }
0xaa: {  	[spmem:s2] =	stream.indirect.scatter.add.f32 [tilespmem:s24], [sflag:$0x9], $0x40, s8, s18, $0xb8;
	[tilespmem:$0x1BBC0] =	vst v63  }
0xab: {  	_ =	swait.ge [sflag:s23], $0x1400  }
0xac: {  	[sflag:s23] =	ssyncset.done $0x0  }
0xad: {  	s7 =	sadd.s32 $0x50F0, s7;
	[sflag:s23] =	ssyncadd.s32 $0xFFFFEC00  }
0xae: {  	[spmem:s2] =	stream.indirect.scatter.add.f32 [tilespmem:s26], [sflag:$0xA], $0x40, s7, s18, $0xb8;
	[tilespmem:$0x1BBC0] =	vst v63  }
0xaf: {  	_ =	swait.ge [sflag:s30], $0x1400  }
0xb0: {  	[sflag:s30] =	ssyncset.done $0x0  }
0xb1: {  	[sflag:s30] =	ssyncadd.s32 $0xFFFFEC00  }
0xb2: {  	_ =	swait.ge [sflag:s1], $0x1400  }
0xb3: {  	[sflag:s1] =	ssyncset.done $0x0  }
0xb4: {  	[sflag:s1] =	ssyncadd.s32 $0xFFFFEC00  }
0xb5: {  	_ =	swait.ge [sflag:s21], $0x1400  }
0xb6: {  	[sflag:s21] =	ssyncset.done $0x0  }
0xb7: {  	[sflag:s21] =	ssyncadd.s32 $0xFFFFEC00  }
0xb8: {  	_ =	swait.ge [sflag:s25], $0x1400  }
0xb9: {  	[sflag:s25] =	ssyncset.done $0x0  }
0xba: {  	[sflag:s25] =	ssyncadd.s32 $0xFFFFEC00  }
0xbb: {  	s5 =	stileid.u32;
	_ =	swait.ge [sflag:s3], $0x1400  }
0xbc: {  	s8 =	sshrl.u32 s6, $0x3;
	s4 =	sadd.s32 $0x1, s4;
	[sflag:s3] =	ssyncset.done $0x0  }
0xbd: {  	s5 =	sshll.u32 s5, $0x6;
	p0 =	sne.s32 s4, s13;
	[sflag:s3] =	ssyncadd.s32 $0xFFFFEC00  }
.Ltmp2:
0xbe: {  	s5 =	sor.u32 $0x1C0B, s5;
	[bflag:$0x0] =	sbarrier.arrive $0xFFFF;
	(pc) =	sbr.rel @p0 .LBB2_1-.Ltmp2, $4  }
0xbf: {  	[hbm:s12], [sflag:s5] =	dma.local [spmem:s8], $0x1388  }
0xc0: {  	_ =	swait.ge [sflag:s17], $0x1388  }
0xc1: {  	[sflag:s17] =	ssyncset.done $0x0  }
0xc2: {  	[sflag:s17] =	ssyncadd.s32 $0xFFFFEC78  }
0xc3: {  	_ =	sfence.sel $0x180000  }
0xc4: {  	[bflag:$0x0] =	sbarrier.arrive $0xFFFF  }
0xc5: {  	_ =	strace $0x9000004A  }
0xc6: {  	s0 =	stileid.u32;
	[bflag:$0x2] =	sbarrier.arrive $0xFFFF  }
0xc7: {  	p0 =	sne.s32 s0, $0x0;
	s0 =	rddreg [dreg:$0x3]  }
0xc8: {  	s0 =	sadd.s32 @!p0 $0x100000, s0  }
0xc9: {  	[sflag:s0] =	ssyncadd.tile.s32 @!p0 $0x1;
	_ =	shalt  }
.Lfunc_end2:
_tile_overlayer_lowered:
.L_overlay_start_2:
0xca: {  	(tag) =	ssettag $0x2  }
0xcb: {  	s0 =	rddreg [dreg:$0x0];
	s2 =	stileid.u32  }
0xcc: {  	s1 =	rddreg [dreg:$0x1];
	p0 =	sne.s32 s2, $0x0  }
0xcd: {  	s3 =	rddreg [dreg:$0x2];
	[bflag:$0x3] =	sbarrier.arrive $0xFFFF;
	s2 =	simm.s32 @!p0 $0x1C0C  }
0xce: {  	[timem:s3], [sflag:s2] =	dma.local @!p0 [hbm:s0], s1  }
0xcf: {  	s0 =	simm.s32 @!p0 $0xC  }
0xd0: {  	_ =	swait.ge @!p0 [sflag:s0], s1  }
0xd1: {  	s1 =	ssub.s32 @!p0 $0x0, s1;
	[sflag:s0] =	ssyncset.done @!p0 $0x0  }
0xd2: {  	[sflag:s0] =	ssyncadd.s32 @!p0 s1  }
0xd3: {  	[bflag:$0x3] =	sbarrier.arrive $0xFFFF  }
0xd4: {  	_ =	shalt  }

</sc_bundles>
